<compile_context>
chip_gen: v7x
topology: tpu7x:2x2x1
jax: 0.10.2.dev20260603
libtpu: 0.0.44.dev20260713+nightly
codegen_flags: <defaults>
</compile_context>

<pallas_src>
import functools

import jax
import jax.numpy as jnp
from jax import lax
from jax.experimental import pallas as pl

N = 10000
E = 160000
H = 128
NH = 8
HD = H // NH
B = 100
NPS = N // B
VDIM = 8
CUTOFF = 5.0

EB = 640
NB = 1000


def _attn_body(x_ref, lnw_ref, lnb_ref, wq_ref, wk_ref, wv_ref, v_ref):
    x = x_ref[0]
    m = jnp.mean(x, axis=-1, keepdims=True)
    var = jnp.mean((x - m) ** 2, axis=-1, keepdims=True)
    xn = (x - m) / jnp.sqrt(var + 1e-5) * lnw_ref[0] + lnb_ref[0]
    q = jnp.dot(xn, wq_ref[...], preferred_element_type=jnp.float32)
    k = jnp.dot(xn, wk_ref[...], preferred_element_type=jnp.float32)
    vv = jnp.dot(xn, wv_ref[...], preferred_element_type=jnp.float32)
    outs = []
    scale = 1.0 / (HD ** 0.5)
    for h in range(NH):
        sl = slice(h * HD, (h + 1) * HD)
        qh = q[:, sl]
        kh = k[:, sl]
        vh = vv[:, sl]
        sc = jnp.dot(qh, kh.T, preferred_element_type=jnp.float32) * scale
        sc = sc - jnp.max(sc, axis=-1, keepdims=True)
        e = jnp.exp(sc)
        a = e / jnp.sum(e, axis=-1, keepdims=True)
        outs.append(jnp.dot(a, vh, preferred_element_type=jnp.float32))
    v_ref[0] = jnp.concatenate(outs, axis=1) * (1.0 / NPS)


def _attention(x, ln_w, ln_b, Wq, Wk, Wv):
    xg = x.reshape(B, NPS, H)
    out = pl.pallas_call(
        _attn_body,
        grid=(B,),
        in_specs=[
            pl.BlockSpec((1, NPS, H), lambda g: (g, 0, 0)),
            pl.BlockSpec((1, H), lambda g: (0, 0)),
            pl.BlockSpec((1, H), lambda g: (0, 0)),
            pl.BlockSpec((H, H), lambda g: (0, 0)),
            pl.BlockSpec((H, H), lambda g: (0, 0)),
            pl.BlockSpec((H, H), lambda g: (0, 0)),
        ],
        out_specs=pl.BlockSpec((1, NPS, H), lambda g: (g, 0, 0)),
        out_shape=jax.ShapeDtypeStruct((B, NPS, H), jnp.float32),
    )(xg, ln_w.reshape(1, H), ln_b.reshape(1, H), Wq, Wk, Wv)
    return out.reshape(N, H)


def _silu_mm_body(a_ref, w_ref, b_ref, o_ref):
    y = jnp.dot(a_ref[...], w_ref[...], preferred_element_type=jnp.float32)
    y = y + b_ref[0]
    o_ref[...] = y * jax.nn.sigmoid(y)


def _silu_mm(a, w, b, blk):
    m, k = a.shape
    n = w.shape[1]
    return pl.pallas_call(
        _silu_mm_body,
        grid=(m // blk,),
        in_specs=[
            pl.BlockSpec((blk, k), lambda i: (i, 0)),
            pl.BlockSpec((k, n), lambda i: (0, 0)),
            pl.BlockSpec((1, n), lambda i: (0, 0)),
        ],
        out_specs=pl.BlockSpec((blk, n), lambda i: (i, 0)),
        out_shape=jax.ShapeDtypeStruct((m, n), jnp.float32),
    )(a, w, b.reshape(1, n))


def _mm_body(a_ref, w_ref, o_ref):
    o_ref[...] = jnp.dot(a_ref[...], w_ref[...],
                         preferred_element_type=jnp.float32)


def _mm(a, w, blk):
    m, k = a.shape
    n = w.shape[1]
    return pl.pallas_call(
        _mm_body,
        grid=(m // blk,),
        in_specs=[
            pl.BlockSpec((blk, k), lambda i: (i, 0)),
            pl.BlockSpec((k, n), lambda i: (0, 0)),
        ],
        out_specs=pl.BlockSpec((blk, n), lambda i: (i, 0)),
        out_shape=jax.ShapeDtypeStruct((m, n), jnp.float32),
    )(a, w)


def _vecsum_mm_body(vec_ref, w_ref, o_ref):
    s = jnp.sum(vec_ref[...], axis=1)
    o_ref[...] = jnp.dot(s, w_ref[...], preferred_element_type=jnp.float32)


def _vec_sum_mm(vec, w1):
    blk = NB
    return pl.pallas_call(
        _vecsum_mm_body,
        grid=(N // blk,),
        in_specs=[
            pl.BlockSpec((blk, VDIM, H), lambda i: (i, 0, 0)),
            pl.BlockSpec((H, H), lambda i: (0, 0)),
        ],
        out_specs=pl.BlockSpec((blk, H), lambda i: (i, 0)),
        out_shape=jax.ShapeDtypeStruct((N, H), jnp.float32),
    )(vec, w1)


def _edge_body(vsrc_ref, r_ref, dv_ref, w_ref, b_ref, lnw_ref,
               vj_ref, s1_ref, s2_ref):
    r = r_ref[...]
    cut = 0.5 * (jnp.cos(jnp.pi * r / CUTOFF) + 1.0) * (r < CUTOFF)
    vj = vsrc_ref[...] * cut * dv_ref[...]
    y = jnp.dot(vj, w_ref[...], preferred_element_type=jnp.float32) + b_ref[0]
    s = y * jax.nn.sigmoid(y)
    vj_ref[...] = vj
    s1_ref[...] = s[:, :H] * lnw_ref[0]
    s2_ref[...] = s[:, H:]


def _edge_stage(v_src, r_ij, dv, s_proj_W, s_proj_b, vec_ln_w):
    return pl.pallas_call(
        _edge_body,
        grid=(E // EB,),
        in_specs=[
            pl.BlockSpec((EB, H), lambda i: (i, 0)),
            pl.BlockSpec((EB, 1), lambda i: (i, 0)),
            pl.BlockSpec((EB, H), lambda i: (i, 0)),
            pl.BlockSpec((H, 2 * H), lambda i: (0, 0)),
            pl.BlockSpec((1, 2 * H), lambda i: (0, 0)),
            pl.BlockSpec((1, H), lambda i: (0, 0)),
        ],
        out_specs=[
            pl.BlockSpec((EB, H), lambda i: (i, 0)),
            pl.BlockSpec((EB, H), lambda i: (i, 0)),
            pl.BlockSpec((EB, H), lambda i: (i, 0)),
        ],
        out_shape=[
            jax.ShapeDtypeStruct((E, H), jnp.float32),
            jax.ShapeDtypeStruct((E, H), jnp.float32),
            jax.ShapeDtypeStruct((E, H), jnp.float32),
        ],
    )(v_src, r_ij.reshape(E, 1), dv, s_proj_W, s_proj_b.reshape(1, 2 * H),
      vec_ln_w.reshape(1, H))


def _final_body(xagg_ref, w_ref, b_ref, vsum_ref, vec3_ref, vagg_ref,
                dx_ref, dvec_ref):
    o = jnp.dot(xagg_ref[...], w_ref[...],
                preferred_element_type=jnp.float32) + b_ref[0]
    o1 = o[:, :H]
    o2 = o[:, H:2 * H]
    o3 = o[:, 2 * H:]
    dx_ref[...] = vsum_ref[...] * o2 + o3
    dvec_ref[...] = vec3_ref[...] * o1[:, None, :] + vagg_ref[...]


def _final(x_agg, o_proj_W, o_proj_b, vec_sum, vec3, vec_agg):
    return pl.pallas_call(
        _final_body,
        grid=(N // NB,),
        in_specs=[
            pl.BlockSpec((NB, H), lambda i: (i, 0)),
            pl.BlockSpec((H, 3 * H), lambda i: (0, 0)),
            pl.BlockSpec((1, 3 * H), lambda i: (0, 0)),
            pl.BlockSpec((NB, H), lambda i: (i, 0)),
            pl.BlockSpec((NB, VDIM, H), lambda i: (i, 0, 0)),
            pl.BlockSpec((NB, VDIM, H), lambda i: (i, 0, 0)),
        ],
        out_specs=[
            pl.BlockSpec((NB, H), lambda i: (i, 0)),
            pl.BlockSpec((NB, VDIM, H), lambda i: (i, 0, 0)),
        ],
        out_shape=[
            jax.ShapeDtypeStruct((N, H), jnp.float32),
            jax.ShapeDtypeStruct((N, VDIM, H), jnp.float32),
        ],
    )(x_agg, o_proj_W, o_proj_b.reshape(1, 3 * H), vec_sum, vec3, vec_agg)


def kernel(x, vec, edge_index, r_ij, f_ij, d_ij, batch, ln_w, ln_b, vec_ln_w,
           Wq, Wk, Wv, vec_proj_W, dv_proj_W, dv_proj_b,
           s_proj_W, s_proj_b, o_proj_W, o_proj_b):
    src = edge_index[0]
    dst = edge_index[1]

    v = _attention(x, ln_w, ln_b, Wq, Wk, Wv)
    dv = _silu_mm(f_ij, dv_proj_W, dv_proj_b, EB)
    w_scaled = vec_ln_w[:, None] * vec_proj_W
    vec_sum = _vec_sum_mm(vec, w_scaled[:, :H])
    vec3 = _mm(vec.reshape(N * VDIM, H), w_scaled[:, H:],
               EB).reshape(N, VDIM, H)

    v_src = jnp.take(v, src, axis=0)
    v_j, s1, s2 = _edge_stage(v_src, r_ij, dv, s_proj_W, s_proj_b, vec_ln_w)

    vec_src = jnp.take(vec, src, axis=0)
    vec_j = vec_src * s1[:, None, :] + s2[:, None, :] * d_ij[:, :, None]
    x_agg = jax.ops.segment_sum(v_j, dst, num_segments=N)
    vec_agg = jax.ops.segment_sum(vec_j, dst, num_segments=N)

    dx, dvec = _final(x_agg, o_proj_W, o_proj_b, vec_sum, vec3, vec_agg)
    return (dx, dvec)

# --- scband reference (transcript-rebuilt; emitter-appended) ---
"""Pipeline reference for scband-phy-mab-net-17721035063336 (READ-ONLY COPY).

The authoritative reference and input builder live on the scoring server;
editing this copy changes nothing except your own understanding.
"""

import jax, jax.numpy as jnp
import numpy as np

N = 10000
E = 160000
H = 128
NH = 8
HD = H // NH
B = 100
NPS = N // B
VDIM = 8
CUTOFF = 5.0


def setup_inputs(seed: int = 0) -> dict:
    key = jax.random.key(seed)
    ks = jax.random.split(key, 20)

    def w(k, shape, scale=0.05):
        return jax.random.normal(k, shape, dtype=jnp.float32) * scale

    inp = {}
    inp["x"] = jax.random.normal(ks[0], (N, H), dtype=jnp.float32)
    inp["vec"] = jax.random.normal(ks[1], (N, VDIM, H), dtype=jnp.float32)
    inp["edge_index"] = jax.random.randint(ks[2], (2, E), 0, N, dtype=jnp.int32)
    inp["r_ij"] = jax.random.uniform(ks[3], (E,), dtype=jnp.float32)
    inp["f_ij"] = jax.random.normal(ks[4], (E, H), dtype=jnp.float32)
    inp["d_ij"] = jax.random.normal(ks[5], (E, VDIM), dtype=jnp.float32)
    inp["batch"] = jnp.repeat(jnp.arange(B, dtype=jnp.int32), NPS)
    # learned parameters
    inp["ln_w"] = jnp.ones((H,), dtype=jnp.float32)
    inp["ln_b"] = jnp.zeros((H,), dtype=jnp.float32)
    inp["vec_ln_w"] = jnp.ones((H,), dtype=jnp.float32)
    inp["Wq"] = w(ks[6], (H, H))
    inp["Wk"] = w(ks[7], (H, H))
    inp["Wv"] = w(ks[8], (H, H))
    inp["vec_proj_W"] = w(ks[9], (H, 2 * H))
    inp["dv_proj_W"] = w(ks[10], (H, H))
    inp["dv_proj_b"] = jnp.zeros((H,), dtype=jnp.float32)
    inp["s_proj_W"] = w(ks[11], (H, 2 * H))
    inp["s_proj_b"] = jnp.zeros((2 * H,), dtype=jnp.float32)
    inp["o_proj_W"] = w(ks[12], (H, 3 * H))
    inp["o_proj_b"] = jnp.zeros((3 * H,), dtype=jnp.float32)
    return inp


def _layernorm(x, w, b):
    m = jnp.mean(x, axis=-1, keepdims=True)
    v = jnp.mean((x - m) ** 2, axis=-1, keepdims=True)
    return (x - m) / jnp.sqrt(v + 1e-5) * w + b


def _cosine_cutoff(r):
    return 0.5 * (jnp.cos(jnp.pi * r / CUTOFF) + 1.0) * (r < CUTOFF).astype(r.dtype)


def reference(x, vec, edge_index, r_ij, f_ij, d_ij, batch, ln_w, ln_b, vec_ln_w,
              Wq, Wk, Wv, vec_proj_W, dv_proj_W, dv_proj_b,
              s_proj_W, s_proj_b, o_proj_W, o_proj_b):
    act = jax.nn.silu
    # node normalization
    x = _layernorm(x, ln_w, ln_b)
    vec = vec * vec_ln_w  # VecLayerNorm with norm_type='none', non-trainable (weight=1)

    # get_feats_with_padding: pad per-graph node features (equal-size graphs -> reshape)
    x_x = x.reshape(B, NPS, H)

    # ManyBodyPadAttn (three-body): per-head attention; pairwise scaled values, mean over keys
    q = (x_x @ Wq).reshape(B, NPS, NH, HD).transpose(0, 2, 1, 3)
    k = (x_x @ Wk).reshape(B, NPS, NH, HD).transpose(0, 2, 1, 3)
    vv = (x_x @ Wv).reshape(B, NPS, NH, HD).transpose(0, 2, 1, 3)
    scores = jnp.einsum('bhid,bhjd->bhij', q, k) / jnp.sqrt(float(HD))
    attn = jax.nn.softmax(scores, axis=-1)
    pair = attn[..., None] * vv[:, :, None, :, :]            # (B, NH, i, j, HD)
    pair = pair.transpose(0, 2, 3, 1, 4).reshape(B, NPS, NPS, H)
    v3 = pair.mean(axis=2)                                    # (B, NPS, H)
    v = v3.reshape(N, H).reshape(N, NH, HD)

    dv = act(f_ij @ dv_proj_W + dv_proj_b).reshape(E, NH, HD)
    vec12 = vec @ vec_proj_W                                  # (N, VDIM, 2H)
    vec1 = vec12[..., :H]
    vec3 = vec12[..., H:]
    vec_sum = vec1.sum(axis=1)                                # (N, H)

    # message passing: message over src, scatter-add at dst
    src = edge_index[0]
    dst = edge_index[1]
    v_j = jnp.take(v, src, axis=0)                            # (E, NH, HD)
    vec_j = jnp.take(vec, src, axis=0)                        # (E, VDIM, H)
    cut = _cosine_cutoff(r_ij)
    v_j = v_j * cut[:, None, None]
    v_j = v_j * dv
    v_j = v_j.reshape(E, H)
    s = act(v_j @ s_proj_W + s_proj_b)
    s1 = s[:, :H]
    s2 = s[:, H:]
    vec_j = vec_j * s1[:, None, :] + s2[:, None, :] * d_ij[:, :, None]

    x_agg = jax.ops.segment_sum(v_j, dst, num_segments=N)
    vec_agg = jax.ops.segment_sum(vec_j, dst, num_segments=N)

    o = x_agg @ o_proj_W + o_proj_b
    o1 = o[:, :H]
    o2 = o[:, H:2 * H]
    o3 = o[:, 2 * H:]
    dx = vec_sum * o2 + o3
    dvec = vec3 * o1[:, None, :] + vec_agg
    return (dx, dvec)


if False:  # reference __main__ guard neutralized (emitter)
    out = reference(**setup_inputs())
    print(out[0].shape, out[1].shape)

if __name__ == "__main__":
    import jax
    _d = setup_inputs()
    print(jax.jit(kernel)(*tuple(_d.values())))

</pallas_src>

<mosaic_0001>
module attributes {stable_mosaic.version = 14 : i64} {
  func.func @_attn_body(%arg0: i32, %arg1: memref<1x100x128xf32, #tpu.memory_space<vmem>>, %arg2: memref<1x128xf32, #tpu.memory_space<vmem>>, %arg3: memref<1x128xf32, #tpu.memory_space<vmem>>, %arg4: memref<128x128xf32, #tpu.memory_space<vmem>>, %arg5: memref<128x128xf32, #tpu.memory_space<vmem>>, %arg6: memref<128x128xf32, #tpu.memory_space<vmem>>, %arg7: memref<1x100x128xf32, #tpu.memory_space<vmem>>) attributes {dimension_semantics = [#tpu.dimension_semantics<arbitrary>], iteration_bounds = array<i64: 100>, scalar_prefetch = 0 : i64, scratch_operands = 0 : i64, tpu.core_type = #tpu.core_type<tc>, window_params = [{transform_indices = @transform_0, window_bounds = array<i64: 1, 100, 128>}, {pipeline_mode = #tpu.pipeline_mode<synchronous>, transform_indices = @transform_1, window_bounds = array<i64: 1, 128>}, {pipeline_mode = #tpu.pipeline_mode<synchronous>, transform_indices = @transform_2, window_bounds = array<i64: 1, 128>}, {pipeline_mode = #tpu.pipeline_mode<synchronous>, transform_indices = @transform_3, window_bounds = array<i64: 128, 128>}, {pipeline_mode = #tpu.pipeline_mode<synchronous>, transform_indices = @transform_4, window_bounds = array<i64: 128, 128>}, {pipeline_mode = #tpu.pipeline_mode<synchronous>, transform_indices = @transform_5, window_bounds = array<i64: 128, 128>}, {transform_indices = @transform_6, window_bounds = array<i64: 1, 100, 128>}]} {
    %get3A = arith.constant 0 : index
    %get3A_0 = arith.constant 0 : index
    %get3A_1 = arith.constant 0 : index
    %get3A_2 = vector.load %arg1[%get3A, %get3A_0, %get3A_1] : memref<1x100x128xf32, #tpu.memory_space<vmem>>, vector<1x100x128xf32>
    %get3A_3 = vector.shape_cast %get3A_2 : vector<1x100x128xf32> to vector<100x128xf32>
    %reduce_sum3A = arith.constant dense<0.000000e+00> : vector<100xf32>
    %reduce_sum3A_4 = vector.multi_reduction <add>, %get3A_3, %reduce_sum3A [1] : vector<100x128xf32> to vector<100xf32>
    %broadcast_in_dim3A = vector.shape_cast %reduce_sum3A_4 : vector<100xf32> to vector<100x1xf32>
    %div3A = arith.constant 1.280000e+02 : f32
    %div3A_5 = vector.broadcast %div3A : f32 to vector<100x1xf32>
    %div3A_6 = arith.divf %broadcast_in_dim3A, %div3A_5 : vector<100x1xf32>
    %sub3A = vector.broadcast %div3A_6 : vector<100x1xf32> to vector<100x128xf32>
    %sub3A_7 = arith.subf %get3A_3, %sub3A : vector<100x128xf32>
    %integer_pow3A = arith.mulf %sub3A_7, %sub3A_7 : vector<100x128xf32>
    %reduce_sum3A_8 = arith.constant dense<0.000000e+00> : vector<100xf32>
    %reduce_sum3A_9 = vector.multi_reduction <add>, %integer_pow3A, %reduce_sum3A_8 [1] : vector<100x128xf32> to vector<100xf32>
    %broadcast_in_dim3A_10 = vector.shape_cast %reduce_sum3A_9 : vector<100xf32> to vector<100x1xf32>
    %div3A_11 = arith.constant 1.280000e+02 : f32
    %div3A_12 = vector.broadcast %div3A_11 : f32 to vector<100x1xf32>
    %div3A_13 = arith.divf %broadcast_in_dim3A_10, %div3A_12 : vector<100x1xf32>
    %sub3A_14 = vector.broadcast %div3A_6 : vector<100x1xf32> to vector<100x128xf32>
    %sub3A_15 = arith.subf %get3A_3, %sub3A_14 : vector<100x128xf32>
    %add3A = arith.constant 9.99999974E-6 : f32
    %add3A_16 = vector.broadcast %add3A : f32 to vector<100x1xf32>
    %add3A_17 = arith.addf %div3A_13, %add3A_16 : vector<100x1xf32>
    %sqrt3A = math.sqrt %add3A_17 : vector<100x1xf32>
    %div3A_18 = vector.broadcast %sqrt3A : vector<100x1xf32> to vector<100x128xf32>
    %div3A_19 = arith.divf %sub3A_15, %div3A_18 : vector<100x128xf32>
    %get3A_20 = arith.constant 0 : index
    %get3A_21 = arith.constant 0 : index
    %get3A_22 = vector.load %arg2[%get3A_20, %get3A_21] : memref<1x128xf32, #tpu.memory_space<vmem>>, vector<1x128xf32>
    %get3A_23 = vector.shape_cast %get3A_22 : vector<1x128xf32> to vector<128xf32>
    %broadcast_in_dim3A_24 = vector.shape_cast %get3A_23 : vector<128xf32> to vector<1x128xf32>
    %mul3A = vector.broadcast %broadcast_in_dim3A_24 : vector<1x128xf32> to vector<100x128xf32>
    %mul3A_25 = arith.mulf %div3A_19, %mul3A : vector<100x128xf32>
    %get3A_26 = arith.constant 0 : index
    %get3A_27 = arith.constant 0 : index
    %get3A_28 = vector.load %arg3[%get3A_26, %get3A_27] : memref<1x128xf32, #tpu.memory_space<vmem>>, vector<1x128xf32>
    %get3A_29 = vector.shape_cast %get3A_28 : vector<1x128xf32> to vector<128xf32>
    %broadcast_in_dim3A_30 = vector.shape_cast %get3A_29 : vector<128xf32> to vector<1x128xf32>
    %add3A_31 = vector.broadcast %broadcast_in_dim3A_30 : vector<1x128xf32> to vector<100x128xf32>
    %add3A_32 = arith.addf %mul3A_25, %add3A_31 : vector<100x128xf32>
    %get3A_33 = arith.constant 0 : index
    %get3A_34 = arith.constant 0 : index
    %get3A_35 = vector.load %arg4[%get3A_33, %get3A_34] : memref<128x128xf32, #tpu.memory_space<vmem>>, vector<128x128xf32>
    %dot_general3A = arith.constant dense<0.000000e+00> : vector<100x128xf32>
    %dot_general3A_36 = tpu.matmul %add3A_32, %get3A_35, %dot_general3A {dimension_numbers = #tpu.dot_dimension_numbers<[1], [0], [0], [1], [0, 0, 1, 1], [], []>, transpose_lhs_hint = false} : vector<100x128xf32>, vector<128x128xf32>, vector<100x128xf32> -> vector<100x128xf32>
    %get3A_37 = arith.constant 0 : index
    %get3A_38 = arith.constant 0 : index
    %get3A_39 = vector.load %arg5[%get3A_37, %get3A_38] : memref<128x128xf32, #tpu.memory_space<vmem>>, vector<128x128xf32>
    %dot_general3A_40 = arith.constant dense<0.000000e+00> : vector<100x128xf32>
    %dot_general3A_41 = tpu.matmul %add3A_32, %get3A_39, %dot_general3A_40 {dimension_numbers = #tpu.dot_dimension_numbers<[1], [0], [0], [1], [0, 0, 1, 1], [], []>, transpose_lhs_hint = false} : vector<100x128xf32>, vector<128x128xf32>, vector<100x128xf32> -> vector<100x128xf32>
    %get3A_42 = arith.constant 0 : index
    %get3A_43 = arith.constant 0 : index
    %get3A_44 = vector.load %arg6[%get3A_42, %get3A_43] : memref<128x128xf32, #tpu.memory_space<vmem>>, vector<128x128xf32>
    %dot_general3A_45 = arith.constant dense<0.000000e+00> : vector<100x128xf32>
    %dot_general3A_46 = tpu.matmul %add3A_32, %get3A_44, %dot_general3A_45 {dimension_numbers = #tpu.dot_dimension_numbers<[1], [0], [0], [1], [0, 0, 1, 1], [], []>, transpose_lhs_hint = false} : vector<100x128xf32>, vector<128x128xf32>, vector<100x128xf32> -> vector<100x128xf32>
    %slice3A = vector.extract_strided_slice %dot_general3A_36 {offsets = [0, 0], sizes = [100, 16], strides = [1, 1]} : vector<100x128xf32> to vector<100x16xf32>
    %slice3A_47 = vector.extract_strided_slice %dot_general3A_41 {offsets = [0, 0], sizes = [100, 16], strides = [1, 1]} : vector<100x128xf32> to vector<100x16xf32>
    %slice3A_48 = vector.extract_strided_slice %dot_general3A_46 {offsets = [0, 0], sizes = [100, 16], strides = [1, 1]} : vector<100x128xf32> to vector<100x16xf32>
    %transpose3A = tpu.transpose %slice3A_47, [1, 0] : vector<100x16xf32> -> vector<16x100xf32>
    %dot_general3A_49 = arith.constant dense<0.000000e+00> : vector<100x100xf32>
    %dot_general3A_50 = tpu.matmul %slice3A, %transpose3A, %dot_general3A_49 {dimension_numbers = #tpu.dot_dimension_numbers<[1], [0], [0], [1], [0, 0, 1, 1], [], []>, transpose_lhs_hint = false} : vector<100x16xf32>, vector<16x100xf32>, vector<100x100xf32> -> vector<100x100xf32>
    %mul3A_51 = arith.constant 2.500000e-01 : f32
    %mul3A_52 = vector.broadcast %mul3A_51 : f32 to vector<100x100xf32>
    %mul3A_53 = arith.mulf %dot_general3A_50, %mul3A_52 : vector<100x100xf32>
    %reduce_max3A = arith.constant dense<0xFF800000> : vector<100xf32>
    %reduce_max3A_54 = vector.multi_reduction <maximumf>, %mul3A_53, %reduce_max3A [1] : vector<100x100xf32> to vector<100xf32>
    %broadcast_in_dim3A_55 = vector.shape_cast %reduce_max3A_54 : vector<100xf32> to vector<100x1xf32>
    %sub3A_56 = vector.broadcast %broadcast_in_dim3A_55 : vector<100x1xf32> to vector<100x100xf32>
    %sub3A_57 = arith.subf %mul3A_53, %sub3A_56 : vector<100x100xf32>
    %exp3A = math.exp %sub3A_57 : vector<100x100xf32>
    %reduce_sum3A_58 = arith.constant dense<0.000000e+00> : vector<100xf32>
    %reduce_sum3A_59 = vector.multi_reduction <add>, %exp3A, %reduce_sum3A_58 [1] : vector<100x100xf32> to vector<100xf32>
    %broadcast_in_dim3A_60 = vector.shape_cast %reduce_sum3A_59 : vector<100xf32> to vector<100x1xf32>
    %div3A_61 = vector.broadcast %broadcast_in_dim3A_60 : vector<100x1xf32> to vector<100x100xf32>
    %div3A_62 = arith.divf %exp3A, %div3A_61 : vector<100x100xf32>
    %dot_general3A_63 = arith.constant dense<0.000000e+00> : vector<100x16xf32>
    %dot_general3A_64 = tpu.matmul %div3A_62, %slice3A_48, %dot_general3A_63 {dimension_numbers = #tpu.dot_dimension_numbers<[1], [0], [0], [1], [0, 0, 1, 1], [], []>, transpose_lhs_hint = false} : vector<100x100xf32>, vector<100x16xf32>, vector<100x16xf32> -> vector<100x16xf32>
    %slice3A_65 = vector.extract_strided_slice %dot_general3A_36 {offsets = [0, 16], sizes = [100, 16], strides = [1, 1]} : vector<100x128xf32> to vector<100x16xf32>
    %slice3A_66 = vector.extract_strided_slice %dot_general3A_41 {offsets = [0, 16], sizes = [100, 16], strides = [1, 1]} : vector<100x128xf32> to vector<100x16xf32>
    %slice3A_67 = vector.extract_strided_slice %dot_general3A_46 {offsets = [0, 16], sizes = [100, 16], strides = [1, 1]} : vector<100x128xf32> to vector<100x16xf32>
    %transpose3A_68 = tpu.transpose %slice3A_66, [1, 0] : vector<100x16xf32> -> vector<16x100xf32>
    %dot_general3A_69 = arith.constant dense<0.000000e+00> : vector<100x100xf32>
    %dot_general3A_70 = tpu.matmul %slice3A_65, %transpose3A_68, %dot_general3A_69 {dimension_numbers = #tpu.dot_dimension_numbers<[1], [0], [0], [1], [0, 0, 1, 1], [], []>, transpose_lhs_hint = false} : vector<100x16xf32>, vector<16x100xf32>, vector<100x100xf32> -> vector<100x100xf32>
    %mul3A_71 = arith.constant 2.500000e-01 : f32
    %mul3A_72 = vector.broadcast %mul3A_71 : f32 to vector<100x100xf32>
    %mul3A_73 = arith.mulf %dot_general3A_70, %mul3A_72 : vector<100x100xf32>
    %reduce_max3A_74 = arith.constant dense<0xFF800000> : vector<100xf32>
    %reduce_max3A_75 = vector.multi_reduction <maximumf>, %mul3A_73, %reduce_max3A_74 [1] : vector<100x100xf32> to vector<100xf32>
    %broadcast_in_dim3A_76 = vector.shape_cast %reduce_max3A_75 : vector<100xf32> to vector<100x1xf32>
    %sub3A_77 = vector.broadcast %broadcast_in_dim3A_76 : vector<100x1xf32> to vector<100x100xf32>
    %sub3A_78 = arith.subf %mul3A_73, %sub3A_77 : vector<100x100xf32>
    %exp3A_79 = math.exp %sub3A_78 : vector<100x100xf32>
    %reduce_sum3A_80 = arith.constant dense<0.000000e+00> : vector<100xf32>
    %reduce_sum3A_81 = vector.multi_reduction <add>, %exp3A_79, %reduce_sum3A_80 [1] : vector<100x100xf32> to vector<100xf32>
    %broadcast_in_dim3A_82 = vector.shape_cast %reduce_sum3A_81 : vector<100xf32> to vector<100x1xf32>
    %div3A_83 = vector.broadcast %broadcast_in_dim3A_82 : vector<100x1xf32> to vector<100x100xf32>
    %div3A_84 = arith.divf %exp3A_79, %div3A_83 : vector<100x100xf32>
    %dot_general3A_85 = arith.constant dense<0.000000e+00> : vector<100x16xf32>
    %dot_general3A_86 = tpu.matmul %div3A_84, %slice3A_67, %dot_general3A_85 {dimension_numbers = #tpu.dot_dimension_numbers<[1], [0], [0], [1], [0, 0, 1, 1], [], []>, transpose_lhs_hint = false} : vector<100x100xf32>, vector<100x16xf32>, vector<100x16xf32> -> vector<100x16xf32>
    %slice3A_87 = vector.extract_strided_slice %dot_general3A_36 {offsets = [0, 32], sizes = [100, 16], strides = [1, 1]} : vector<100x128xf32> to vector<100x16xf32>
    %slice3A_88 = vector.extract_strided_slice %dot_general3A_41 {offsets = [0, 32], sizes = [100, 16], strides = [1, 1]} : vector<100x128xf32> to vector<100x16xf32>
    %slice3A_89 = vector.extract_strided_slice %dot_general3A_46 {offsets = [0, 32], sizes = [100, 16], strides = [1, 1]} : vector<100x128xf32> to vector<100x16xf32>
    %transpose3A_90 = tpu.transpose %slice3A_88, [1, 0] : vector<100x16xf32> -> vector<16x100xf32>
    %dot_general3A_91 = arith.constant dense<0.000000e+00> : vector<100x100xf32>
    %dot_general3A_92 = tpu.matmul %slice3A_87, %transpose3A_90, %dot_general3A_91 {dimension_numbers = #tpu.dot_dimension_numbers<[1], [0], [0], [1], [0, 0, 1, 1], [], []>, transpose_lhs_hint = false} : vector<100x16xf32>, vector<16x100xf32>, vector<100x100xf32> -> vector<100x100xf32>
    %mul3A_93 = arith.constant 2.500000e-01 : f32
    %mul3A_94 = vector.broadcast %mul3A_93 : f32 to vector<100x100xf32>
    %mul3A_95 = arith.mulf %dot_general3A_92, %mul3A_94 : vector<100x100xf32>
    %reduce_max3A_96 = arith.constant dense<0xFF800000> : vector<100xf32>
    %reduce_max3A_97 = vector.multi_reduction <maximumf>, %mul3A_95, %reduce_max3A_96 [1] : vector<100x100xf32> to vector<100xf32>
    %broadcast_in_dim3A_98 = vector.shape_cast %reduce_max3A_97 : vector<100xf32> to vector<100x1xf32>
    %sub3A_99 = vector.broadcast %broadcast_in_dim3A_98 : vector<100x1xf32> to vector<100x100xf32>
    %sub3A_100 = arith.subf %mul3A_95, %sub3A_99 : vector<100x100xf32>
    %exp3A_101 = math.exp %sub3A_100 : vector<100x100xf32>
    %reduce_sum3A_102 = arith.constant dense<0.000000e+00> : vector<100xf32>
    %reduce_sum3A_103 = vector.multi_reduction <add>, %exp3A_101, %reduce_sum3A_102 [1] : vector<100x100xf32> to vector<100xf32>
    %broadcast_in_dim3A_104 = vector.shape_cast %reduce_sum3A_103 : vector<100xf32> to vector<100x1xf32>
    %div3A_105 = vector.broadcast %broadcast_in_dim3A_104 : vector<100x1xf32> to vector<100x100xf32>
    %div3A_106 = arith.divf %exp3A_101, %div3A_105 : vector<100x100xf32>
    %dot_general3A_107 = arith.constant dense<0.000000e+00> : vector<100x16xf32>
    %dot_general3A_108 = tpu.matmul %div3A_106, %slice3A_89, %dot_general3A_107 {dimension_numbers = #tpu.dot_dimension_numbers<[1], [0], [0], [1], [0, 0, 1, 1], [], []>, transpose_lhs_hint = false} : vector<100x100xf32>, vector<100x16xf32>, vector<100x16xf32> -> vector<100x16xf32>
    %slice3A_109 = vector.extract_strided_slice %dot_general3A_36 {offsets = [0, 48], sizes = [100, 16], strides = [1, 1]} : vector<100x128xf32> to vector<100x16xf32>
    %slice3A_110 = vector.extract_strided_slice %dot_general3A_41 {offsets = [0, 48], sizes = [100, 16], strides = [1, 1]} : vector<100x128xf32> to vector<100x16xf32>
    %slice3A_111 = vector.extract_strided_slice %dot_general3A_46 {offsets = [0, 48], sizes = [100, 16], strides = [1, 1]} : vector<100x128xf32> to vector<100x16xf32>
    %transpose3A_112 = tpu.transpose %slice3A_110, [1, 0] : vector<100x16xf32> -> vector<16x100xf32>
    %dot_general3A_113 = arith.constant dense<0.000000e+00> : vector<100x100xf32>
    %dot_general3A_114 = tpu.matmul %slice3A_109, %transpose3A_112, %dot_general3A_113 {dimension_numbers = #tpu.dot_dimension_numbers<[1], [0], [0], [1], [0, 0, 1, 1], [], []>, transpose_lhs_hint = false} : vector<100x16xf32>, vector<16x100xf32>, vector<100x100xf32> -> vector<100x100xf32>
    %mul3A_115 = arith.constant 2.500000e-01 : f32
    %mul3A_116 = vector.broadcast %mul3A_115 : f32 to vector<100x100xf32>
    %mul3A_117 = arith.mulf %dot_general3A_114, %mul3A_116 : vector<100x100xf32>
    %reduce_max3A_118 = arith.constant dense<0xFF800000> : vector<100xf32>
    %reduce_max3A_119 = vector.multi_reduction <maximumf>, %mul3A_117, %reduce_max3A_118 [1] : vector<100x100xf32> to vector<100xf32>
    %broadcast_in_dim3A_120 = vector.shape_cast %reduce_max3A_119 : vector<100xf32> to vector<100x1xf32>
    %sub3A_121 = vector.broadcast %broadcast_in_dim3A_120 : vector<100x1xf32> to vector<100x100xf32>
    %sub3A_122 = arith.subf %mul3A_117, %sub3A_121 : vector<100x100xf32>
    %exp3A_123 = math.exp %sub3A_122 : vector<100x100xf32>
    %reduce_sum3A_124 = arith.constant dense<0.000000e+00> : vector<100xf32>
    %reduce_sum3A_125 = vector.multi_reduction <add>, %exp3A_123, %reduce_sum3A_124 [1] : vector<100x100xf32> to vector<100xf32>
    %broadcast_in_dim3A_126 = vector.shape_cast %reduce_sum3A_125 : vector<100xf32> to vector<100x1xf32>
    %div3A_127 = vector.broadcast %broadcast_in_dim3A_126 : vector<100x1xf32> to vector<100x100xf32>
    %div3A_128 = arith.divf %exp3A_123, %div3A_127 : vector<100x100xf32>
    %dot_general3A_129 = arith.constant dense<0.000000e+00> : vector<100x16xf32>
    %dot_general3A_130 = tpu.matmul %div3A_128, %slice3A_111, %dot_general3A_129 {dimension_numbers = #tpu.dot_dimension_numbers<[1], [0], [0], [1], [0, 0, 1, 1], [], []>, transpose_lhs_hint = false} : vector<100x100xf32>, vector<100x16xf32>, vector<100x16xf32> -> vector<100x16xf32>
    %slice3A_131 = vector.extract_strided_slice %dot_general3A_36 {offsets = [0, 64], sizes = [100, 16], strides = [1, 1]} : vector<100x128xf32> to vector<100x16xf32>
    %slice3A_132 = vector.extract_strided_slice %dot_general3A_41 {offsets = [0, 64], sizes = [100, 16], strides = [1, 1]} : vector<100x128xf32> to vector<100x16xf32>
    %slice3A_133 = vector.extract_strided_slice %dot_general3A_46 {offsets = [0, 64], sizes = [100, 16], strides = [1, 1]} : vector<100x128xf32> to vector<100x16xf32>
    %transpose3A_134 = tpu.transpose %slice3A_132, [1, 0] : vector<100x16xf32> -> vector<16x100xf32>
    %dot_general3A_135 = arith.constant dense<0.000000e+00> : vector<100x100xf32>
    %dot_general3A_136 = tpu.matmul %slice3A_131, %transpose3A_134, %dot_general3A_135 {dimension_numbers = #tpu.dot_dimension_numbers<[1], [0], [0], [1], [0, 0, 1, 1], [], []>, transpose_lhs_hint = false} : vector<100x16xf32>, vector<16x100xf32>, vector<100x100xf32> -> vector<100x100xf32>
    %mul3A_137 = arith.constant 2.500000e-01 : f32
    %mul3A_138 = vector.broadcast %mul3A_137 : f32 to vector<100x100xf32>
    %mul3A_139 = arith.mulf %dot_general3A_136, %mul3A_138 : vector<100x100xf32>
    %reduce_max3A_140 = arith.constant dense<0xFF800000> : vector<100xf32>
    %reduce_max3A_141 = vector.multi_reduction <maximumf>, %mul3A_139, %reduce_max3A_140 [1] : vector<100x100xf32> to vector<100xf32>
    %broadcast_in_dim3A_142 = vector.shape_cast %reduce_max3A_141 : vector<100xf32> to vector<100x1xf32>
    %sub3A_143 = vector.broadcast %broadcast_in_dim3A_142 : vector<100x1xf32> to vector<100x100xf32>
    %sub3A_144 = arith.subf %mul3A_139, %sub3A_143 : vector<100x100xf32>
    %exp3A_145 = math.exp %sub3A_144 : vector<100x100xf32>
    %reduce_sum3A_146 = arith.constant dense<0.000000e+00> : vector<100xf32>
    %reduce_sum3A_147 = vector.multi_reduction <add>, %exp3A_145, %reduce_sum3A_146 [1] : vector<100x100xf32> to vector<100xf32>
    %broadcast_in_dim3A_148 = vector.shape_cast %reduce_sum3A_147 : vector<100xf32> to vector<100x1xf32>
    %div3A_149 = vector.broadcast %broadcast_in_dim3A_148 : vector<100x1xf32> to vector<100x100xf32>
    %div3A_150 = arith.divf %exp3A_145, %div3A_149 : vector<100x100xf32>
    %dot_general3A_151 = arith.constant dense<0.000000e+00> : vector<100x16xf32>
    %dot_general3A_152 = tpu.matmul %div3A_150, %slice3A_133, %dot_general3A_151 {dimension_numbers = #tpu.dot_dimension_numbers<[1], [0], [0], [1], [0, 0, 1, 1], [], []>, transpose_lhs_hint = false} : vector<100x100xf32>, vector<100x16xf32>, vector<100x16xf32> -> vector<100x16xf32>
    %slice3A_153 = vector.extract_strided_slice %dot_general3A_36 {offsets = [0, 80], sizes = [100, 16], strides = [1, 1]} : vector<100x128xf32> to vector<100x16xf32>
    %slice3A_154 = vector.extract_strided_slice %dot_general3A_41 {offsets = [0, 80], sizes = [100, 16], strides = [1, 1]} : vector<100x128xf32> to vector<100x16xf32>
    %slice3A_155 = vector.extract_strided_slice %dot_general3A_46 {offsets = [0, 80], sizes = [100, 16], strides = [1, 1]} : vector<100x128xf32> to vector<100x16xf32>
    %transpose3A_156 = tpu.transpose %slice3A_154, [1, 0] : vector<100x16xf32> -> vector<16x100xf32>
    %dot_general3A_157 = arith.constant dense<0.000000e+00> : vector<100x100xf32>
    %dot_general3A_158 = tpu.matmul %slice3A_153, %transpose3A_156, %dot_general3A_157 {dimension_numbers = #tpu.dot_dimension_numbers<[1], [0], [0], [1], [0, 0, 1, 1], [], []>, transpose_lhs_hint = false} : vector<100x16xf32>, vector<16x100xf32>, vector<100x100xf32> -> vector<100x100xf32>
    %mul3A_159 = arith.constant 2.500000e-01 : f32
    %mul3A_160 = vector.broadcast %mul3A_159 : f32 to vector<100x100xf32>
    %mul3A_161 = arith.mulf %dot_general3A_158, %mul3A_160 : vector<100x100xf32>
    %reduce_max3A_162 = arith.constant dense<0xFF800000> : vector<100xf32>
    %reduce_max3A_163 = vector.multi_reduction <maximumf>, %mul3A_161, %reduce_max3A_162 [1] : vector<100x100xf32> to vector<100xf32>
    %broadcast_in_dim3A_164 = vector.shape_cast %reduce_max3A_163 : vector<100xf32> to vector<100x1xf32>
    %sub3A_165 = vector.broadcast %broadcast_in_dim3A_164 : vector<100x1xf32> to vector<100x100xf32>
    %sub3A_166 = arith.subf %mul3A_161, %sub3A_165 : vector<100x100xf32>
    %exp3A_167 = math.exp %sub3A_166 : vector<100x100xf32>
    %reduce_sum3A_168 = arith.constant dense<0.000000e+00> : vector<100xf32>
    %reduce_sum3A_169 = vector.multi_reduction <add>, %exp3A_167, %reduce_sum3A_168 [1] : vector<100x100xf32> to vector<100xf32>
    %broadcast_in_dim3A_170 = vector.shape_cast %reduce_sum3A_169 : vector<100xf32> to vector<100x1xf32>
    %div3A_171 = vector.broadcast %broadcast_in_dim3A_170 : vector<100x1xf32> to vector<100x100xf32>
    %div3A_172 = arith.divf %exp3A_167, %div3A_171 : vector<100x100xf32>
    %dot_general3A_173 = arith.constant dense<0.000000e+00> : vector<100x16xf32>
    %dot_general3A_174 = tpu.matmul %div3A_172, %slice3A_155, %dot_general3A_173 {dimension_numbers = #tpu.dot_dimension_numbers<[1], [0], [0], [1], [0, 0, 1, 1], [], []>, transpose_lhs_hint = false} : vector<100x100xf32>, vector<100x16xf32>, vector<100x16xf32> -> vector<100x16xf32>
    %slice3A_175 = vector.extract_strided_slice %dot_general3A_36 {offsets = [0, 96], sizes = [100, 16], strides = [1, 1]} : vector<100x128xf32> to vector<100x16xf32>
    %slice3A_176 = vector.extract_strided_slice %dot_general3A_41 {offsets = [0, 96], sizes = [100, 16], strides = [1, 1]} : vector<100x128xf32> to vector<100x16xf32>
    %slice3A_177 = vector.extract_strided_slice %dot_general3A_46 {offsets = [0, 96], sizes = [100, 16], strides = [1, 1]} : vector<100x128xf32> to vector<100x16xf32>
    %transpose3A_178 = tpu.transpose %slice3A_176, [1, 0] : vector<100x16xf32> -> vector<16x100xf32>
    %dot_general3A_179 = arith.constant dense<0.000000e+00> : vector<100x100xf32>
    %dot_general3A_180 = tpu.matmul %slice3A_175, %transpose3A_178, %dot_general3A_179 {dimension_numbers = #tpu.dot_dimension_numbers<[1], [0], [0], [1], [0, 0, 1, 1], [], []>, transpose_lhs_hint = false} : vector<100x16xf32>, vector<16x100xf32>, vector<100x100xf32> -> vector<100x100xf32>
    %mul3A_181 = arith.constant 2.500000e-01 : f32
    %mul3A_182 = vector.broadcast %mul3A_181 : f32 to vector<100x100xf32>
    %mul3A_183 = arith.mulf %dot_general3A_180, %mul3A_182 : vector<100x100xf32>
    %reduce_max3A_184 = arith.constant dense<0xFF800000> : vector<100xf32>
    %reduce_max3A_185 = vector.multi_reduction <maximumf>, %mul3A_183, %reduce_max3A_184 [1] : vector<100x100xf32> to vector<100xf32>
    %broadcast_in_dim3A_186 = vector.shape_cast %reduce_max3A_185 : vector<100xf32> to vector<100x1xf32>
    %sub3A_187 = vector.broadcast %broadcast_in_dim3A_186 : vector<100x1xf32> to vector<100x100xf32>
    %sub3A_188 = arith.subf %mul3A_183, %sub3A_187 : vector<100x100xf32>
    %exp3A_189 = math.exp %sub3A_188 : vector<100x100xf32>
    %reduce_sum3A_190 = arith.constant dense<0.000000e+00> : vector<100xf32>
    %reduce_sum3A_191 = vector.multi_reduction <add>, %exp3A_189, %reduce_sum3A_190 [1] : vector<100x100xf32> to vector<100xf32>
    %broadcast_in_dim3A_192 = vector.shape_cast %reduce_sum3A_191 : vector<100xf32> to vector<100x1xf32>
    %div3A_193 = vector.broadcast %broadcast_in_dim3A_192 : vector<100x1xf32> to vector<100x100xf32>
    %div3A_194 = arith.divf %exp3A_189, %div3A_193 : vector<100x100xf32>
    %dot_general3A_195 = arith.constant dense<0.000000e+00> : vector<100x16xf32>
    %dot_general3A_196 = tpu.matmul %div3A_194, %slice3A_177, %dot_general3A_195 {dimension_numbers = #tpu.dot_dimension_numbers<[1], [0], [0], [1], [0, 0, 1, 1], [], []>, transpose_lhs_hint = false} : vector<100x100xf32>, vector<100x16xf32>, vector<100x16xf32> -> vector<100x16xf32>
    %slice3A_197 = vector.extract_strided_slice %dot_general3A_36 {offsets = [0, 112], sizes = [100, 16], strides = [1, 1]} : vector<100x128xf32> to vector<100x16xf32>
    %slice3A_198 = vector.extract_strided_slice %dot_general3A_41 {offsets = [0, 112], sizes = [100, 16], strides = [1, 1]} : vector<100x128xf32> to vector<100x16xf32>
    %slice3A_199 = vector.extract_strided_slice %dot_general3A_46 {offsets = [0, 112], sizes = [100, 16], strides = [1, 1]} : vector<100x128xf32> to vector<100x16xf32>
    %transpose3A_200 = tpu.transpose %slice3A_198, [1, 0] : vector<100x16xf32> -> vector<16x100xf32>
    %dot_general3A_201 = arith.constant dense<0.000000e+00> : vector<100x100xf32>
    %dot_general3A_202 = tpu.matmul %slice3A_197, %transpose3A_200, %dot_general3A_201 {dimension_numbers = #tpu.dot_dimension_numbers<[1], [0], [0], [1], [0, 0, 1, 1], [], []>, transpose_lhs_hint = false} : vector<100x16xf32>, vector<16x100xf32>, vector<100x100xf32> -> vector<100x100xf32>
    %mul3A_203 = arith.constant 2.500000e-01 : f32
    %mul3A_204 = vector.broadcast %mul3A_203 : f32 to vector<100x100xf32>
    %mul3A_205 = arith.mulf %dot_general3A_202, %mul3A_204 : vector<100x100xf32>
    %reduce_max3A_206 = arith.constant dense<0xFF800000> : vector<100xf32>
    %reduce_max3A_207 = vector.multi_reduction <maximumf>, %mul3A_205, %reduce_max3A_206 [1] : vector<100x100xf32> to vector<100xf32>
    %broadcast_in_dim3A_208 = vector.shape_cast %reduce_max3A_207 : vector<100xf32> to vector<100x1xf32>
    %sub3A_209 = vector.broadcast %broadcast_in_dim3A_208 : vector<100x1xf32> to vector<100x100xf32>
    %sub3A_210 = arith.subf %mul3A_205, %sub3A_209 : vector<100x100xf32>
    %exp3A_211 = math.exp %sub3A_210 : vector<100x100xf32>
    %reduce_sum3A_212 = arith.constant dense<0.000000e+00> : vector<100xf32>
    %reduce_sum3A_213 = vector.multi_reduction <add>, %exp3A_211, %reduce_sum3A_212 [1] : vector<100x100xf32> to vector<100xf32>
    %broadcast_in_dim3A_214 = vector.shape_cast %reduce_sum3A_213 : vector<100xf32> to vector<100x1xf32>
    %div3A_215 = vector.broadcast %broadcast_in_dim3A_214 : vector<100x1xf32> to vector<100x100xf32>
    %div3A_216 = arith.divf %exp3A_211, %div3A_215 : vector<100x100xf32>
    %dot_general3A_217 = arith.constant dense<0.000000e+00> : vector<100x16xf32>
    %dot_general3A_218 = tpu.matmul %div3A_216, %slice3A_199, %dot_general3A_217 {dimension_numbers = #tpu.dot_dimension_numbers<[1], [0], [0], [1], [0, 0, 1, 1], [], []>, transpose_lhs_hint = false} : vector<100x100xf32>, vector<100x16xf32>, vector<100x16xf32> -> vector<100x16xf32>
    %concatenate3A = tpu.concatenate %dot_general3A_64, %dot_general3A_86, %dot_general3A_108, %dot_general3A_130, %dot_general3A_152, %dot_general3A_174, %dot_general3A_196, %dot_general3A_218 in 1 : vector<100x16xf32>, vector<100x16xf32>, vector<100x16xf32>, vector<100x16xf32>, vector<100x16xf32>, vector<100x16xf32>, vector<100x16xf32>, vector<100x16xf32> -> vector<100x128xf32>
    %mul3A_219 = arith.constant 0.00999999977 : f32
    %mul3A_220 = vector.broadcast %mul3A_219 : f32 to vector<100x128xf32>
    %mul3A_221 = arith.mulf %concatenate3A, %mul3A_220 : vector<100x128xf32>
    %swap3A = arith.constant 0 : index
    %swap3A_222 = arith.constant 0 : index
    %swap3A_223 = arith.constant 0 : index
    %swap3A_224 = vector.load %arg7[%swap3A, %swap3A_222, %swap3A_223] : memref<1x100x128xf32, #tpu.memory_space<vmem>>, vector<1x100x128xf32>
    %swap3A_225 = vector.shape_cast %swap3A_224 : vector<1x100x128xf32> to vector<100x128xf32>
    %swap3A_226 = vector.shape_cast %mul3A_221 : vector<100x128xf32> to vector<1x100x128xf32>
    tpu.vector_store %arg7[%swap3A, %swap3A_222, %swap3A_223], %swap3A_226 {strides = array<i32>} : memref<1x100x128xf32, #tpu.memory_space<vmem>>, vector<1x100x128xf32>,
    return
  }
  func.func @transform_0(%arg0: i32) -> (i32, i32, i32) {
    %c0_i32 = arith.constant 0 : i32
    %c0_i32_0 = arith.constant 0 : i32
    %c0_i32_1 = arith.constant 0 : i32
    return %arg0, %c0_i32, %c0_i32_0 : i32, i32, i32
  }
  func.func @transform_1(%arg0: i32) -> (i32, i32) {
    %c0_i32 = arith.constant 0 : i32
    %c0_i32_0 = arith.constant 0 : i32
    %c0_i32_1 = arith.constant 0 : i32
    return %c0_i32, %c0_i32_0 : i32, i32
  }
  func.func @transform_2(%arg0: i32) -> (i32, i32) {
    %c0_i32 = arith.constant 0 : i32
    %c0_i32_0 = arith.constant 0 : i32
    %c0_i32_1 = arith.constant 0 : i32
    return %c0_i32, %c0_i32_0 : i32, i32
  }
  func.func @transform_3(%arg0: i32) -> (i32, i32) {
    %c0_i32 = arith.constant 0 : i32
    %c0_i32_0 = arith.constant 0 : i32
    %c0_i32_1 = arith.constant 0 : i32
    return %c0_i32, %c0_i32_0 : i32, i32
  }
  func.func @transform_4(%arg0: i32) -> (i32, i32) {
    %c0_i32 = arith.constant 0 : i32
    %c0_i32_0 = arith.constant 0 : i32
    %c0_i32_1 = arith.constant 0 : i32
    return %c0_i32, %c0_i32_0 : i32, i32
  }
  func.func @transform_5(%arg0: i32) -> (i32, i32) {
    %c0_i32 = arith.constant 0 : i32
    %c0_i32_0 = arith.constant 0 : i32
    %c0_i32_1 = arith.constant 0 : i32
    return %c0_i32, %c0_i32_0 : i32, i32
  }
  func.func @transform_6(%arg0: i32) -> (i32, i32, i32) {
    %c0_i32 = arith.constant 0 : i32
    %c0_i32_0 = arith.constant 0 : i32
    %c0_i32_1 = arith.constant 0 : i32
    return %arg0, %c0_i32, %c0_i32_0 : i32, i32, i32
  }
}

module attributes {stable_mosaic.version = 14 : i64} {
  func.func @_silu_mm_body(%arg0: i32, %arg1: memref<640x128xf32, #tpu.memory_space<vmem>>, %arg2: memref<128x128xf32, #tpu.memory_space<vmem>>, %arg3: memref<1x128xf32, #tpu.memory_space<vmem>>, %arg4: memref<640x128xf32, #tpu.memory_space<vmem>>) attributes {dimension_semantics = [#tpu.dimension_semantics<arbitrary>], iteration_bounds = array<i64: 250>, scalar_prefetch = 0 : i64, scratch_operands = 0 : i64, tpu.core_type = #tpu.core_type<tc>, window_params = [{transform_indices = @transform_0, window_bounds = array<i64: 640, 128>}, {pipeline_mode = #tpu.pipeline_mode<synchronous>, transform_indices = @transform_1, window_bounds = array<i64: 128, 128>}, {pipeline_mode = #tpu.pipeline_mode<synchronous>, transform_indices = @transform_2, window_bounds = array<i64: 1, 128>}, {transform_indices = @transform_3, window_bounds = array<i64: 640, 128>}]} {
    %get3A = arith.constant 0 : index
    %get3A_0 = arith.constant 0 : index
    %get3A_1 = vector.load %arg1[%get3A, %get3A_0] : memref<640x128xf32, #tpu.memory_space<vmem>>, vector<640x128xf32>
    %get3A_2 = arith.constant 0 : index
    %get3A_3 = arith.constant 0 : index
    %get3A_4 = vector.load %arg2[%get3A_2, %get3A_3] : memref<128x128xf32, #tpu.memory_space<vmem>>, vector<128x128xf32>
    %dot_general3A = arith.constant dense<0.000000e+00> : vector<640x128xf32>
    %dot_general3A_5 = tpu.matmul %get3A_1, %get3A_4, %dot_general3A {dimension_numbers = #tpu.dot_dimension_numbers<[1], [0], [0], [1], [0, 0, 1, 1], [], []>, transpose_lhs_hint = false} : vector<640x128xf32>, vector<128x128xf32>, vector<640x128xf32> -> vector<640x128xf32>
    %get3A_6 = arith.constant 0 : index
    %get3A_7 = arith.constant 0 : index
    %get3A_8 = vector.load %arg3[%get3A_6, %get3A_7] : memref<1x128xf32, #tpu.memory_space<vmem>>, vector<1x128xf32>
    %get3A_9 = vector.shape_cast %get3A_8 : vector<1x128xf32> to vector<128xf32>
    %broadcast_in_dim3A = vector.shape_cast %get3A_9 : vector<128xf32> to vector<1x128xf32>
    %add3A = vector.broadcast %broadcast_in_dim3A : vector<1x128xf32> to vector<640x128xf32>
    %add3A_10 = arith.addf %dot_general3A_5, %add3A : vector<640x128xf32>
    %logistic3A = arith.negf %add3A_10 : vector<640x128xf32>
    %logistic3A_11 = math.exp %logistic3A : vector<640x128xf32>
    %logistic3A_12 = arith.constant 1.000000e+00 : f32
    %logistic3A_13 = vector.broadcast %logistic3A_12 : f32 to vector<640x128xf32>
    %logistic3A_14 = arith.addf %logistic3A_13, %logistic3A_11 : vector<640x128xf32>
    %logistic3A_15 = arith.divf %logistic3A_13, %logistic3A_14 : vector<640x128xf32>
    %mul3A = arith.mulf %add3A_10, %logistic3A_15 : vector<640x128xf32>
    %swap3A = arith.constant 0 : index
    %swap3A_16 = arith.constant 0 : index
    %swap3A_17 = vector.load %arg4[%swap3A, %swap3A_16] : memref<640x128xf32, #tpu.memory_space<vmem>>, vector<640x128xf32>
    tpu.vector_store %arg4[%swap3A, %swap3A_16], %mul3A {strides = array<i32>} : memref<640x128xf32, #tpu.memory_space<vmem>>, vector<640x128xf32>,
    return
  }
  func.func @transform_0(%arg0: i32) -> (i32, i32) {
    %c0_i32 = arith.constant 0 : i32
    %c0_i32_0 = arith.constant 0 : i32
    return %arg0, %c0_i32 : i32, i32
  }
  func.func @transform_1(%arg0: i32) -> (i32, i32) {
    %c0_i32 = arith.constant 0 : i32
    %c0_i32_0 = arith.constant 0 : i32
    %c0_i32_1 = arith.constant 0 : i32
    return %c0_i32, %c0_i32_0 : i32, i32
  }
  func.func @transform_2(%arg0: i32) -> (i32, i32) {
    %c0_i32 = arith.constant 0 : i32
    %c0_i32_0 = arith.constant 0 : i32
    %c0_i32_1 = arith.constant 0 : i32
    return %c0_i32, %c0_i32_0 : i32, i32
  }
  func.func @transform_3(%arg0: i32) -> (i32, i32) {
    %c0_i32 = arith.constant 0 : i32
    %c0_i32_0 = arith.constant 0 : i32
    return %arg0, %c0_i32 : i32, i32
  }
}

module attributes {stable_mosaic.version = 14 : i64} {
  func.func @_edge_body(%arg0: i32, %arg1: memref<640x128xf32, #tpu.memory_space<vmem>>, %arg2: memref<640x1xf32, #tpu.memory_space<vmem>>, %arg3: memref<640x128xf32, #tpu.memory_space<vmem>>, %arg4: memref<128x256xf32, #tpu.memory_space<vmem>>, %arg5: memref<1x256xf32, #tpu.memory_space<vmem>>, %arg6: memref<1x128xf32, #tpu.memory_space<vmem>>, %arg7: memref<640x128xf32, #tpu.memory_space<vmem>>, %arg8: memref<640x128xf32, #tpu.memory_space<vmem>>, %arg9: memref<640x128xf32, #tpu.memory_space<vmem>>) attributes {dimension_semantics = [#tpu.dimension_semantics<arbitrary>], iteration_bounds = array<i64: 250>, scalar_prefetch = 0 : i64, scratch_operands = 0 : i64, tpu.core_type = #tpu.core_type<tc>, window_params = [{transform_indices = @transform_0, window_bounds = array<i64: 640, 128>}, {transform_indices = @transform_1, window_bounds = array<i64: 640, 1>}, {transform_indices = @transform_2, window_bounds = array<i64: 640, 128>}, {pipeline_mode = #tpu.pipeline_mode<synchronous>, transform_indices = @transform_3, window_bounds = array<i64: 128, 256>}, {pipeline_mode = #tpu.pipeline_mode<synchronous>, transform_indices = @transform_4, window_bounds = array<i64: 1, 256>}, {pipeline_mode = #tpu.pipeline_mode<synchronous>, transform_indices = @transform_5, window_bounds = array<i64: 1, 128>}, {transform_indices = @transform_6, window_bounds = array<i64: 640, 128>}, {transform_indices = @transform_7, window_bounds = array<i64: 640, 128>}, {transform_indices = @transform_8, window_bounds = array<i64: 640, 128>}]} {
    %get3A = arith.constant 0 : index
    %get3A_0 = arith.constant 0 : index
    %get3A_1 = vector.load %arg2[%get3A, %get3A_0] : memref<640x1xf32, #tpu.memory_space<vmem>>, vector<640x1xf32>
    %mul3A = arith.constant 3.14159274 : f32
    %mul3A_2 = vector.broadcast %mul3A : f32 to vector<640x1xf32>
    %mul3A_3 = arith.mulf %mul3A_2, %get3A_1 : vector<640x1xf32>
    %div3A = arith.constant 5.000000e+00 : f32
    %div3A_4 = vector.broadcast %div3A : f32 to vector<640x1xf32>
    %div3A_5 = arith.divf %mul3A_3, %div3A_4 : vector<640x1xf32>
    %cos3A = math.cos %div3A_5 : vector<640x1xf32>
    %add3A = arith.constant 1.000000e+00 : f32
    %add3A_6 = vector.broadcast %add3A : f32 to vector<640x1xf32>
    %add3A_7 = arith.addf %cos3A, %add3A_6 : vector<640x1xf32>
    %mul3A_8 = arith.constant 5.000000e-01 : f32
    %mul3A_9 = vector.broadcast %mul3A_8 : f32 to vector<640x1xf32>
    %mul3A_10 = arith.mulf %mul3A_9, %add3A_7 : vector<640x1xf32>
    %lt3A = arith.constant 5.000000e+00 : f32
    %lt3A_11 = vector.broadcast %lt3A : f32 to vector<640x1xf32>
    %lt3A_12 = arith.cmpf olt, %get3A_1, %lt3A_11 : vector<640x1xf32>
    %convert_element_type3A = arith.extui %lt3A_12 : vector<640x1xi1> to vector<640x1xi32>
    %convert_element_type3A_13 = arith.sitofp %convert_element_type3A : vector<640x1xi32> to vector<640x1xf32>
    %mul3A_14 = arith.mulf %mul3A_10, %convert_element_type3A_13 : vector<640x1xf32>
    %get3A_15 = arith.constant 0 : index
    %get3A_16 = arith.constant 0 : index
    %get3A_17 = vector.load %arg1[%get3A_15, %get3A_16] : memref<640x128xf32, #tpu.memory_space<vmem>>, vector<640x128xf32>
    %mul3A_18 = vector.broadcast %mul3A_14 : vector<640x1xf32> to vector<640x128xf32>
    %mul3A_19 = arith.mulf %get3A_17, %mul3A_18 : vector<640x128xf32>
    %get3A_20 = arith.constant 0 : index
    %get3A_21 = arith.constant 0 : index
    %get3A_22 = vector.load %arg3[%get3A_20, %get3A_21] : memref<640x128xf32, #tpu.memory_space<vmem>>, vector<640x128xf32>
    %mul3A_23 = arith.mulf %mul3A_19, %get3A_22 : vector<640x128xf32>
    %get3A_24 = arith.constant 0 : index
    %get3A_25 = arith.constant 0 : index
    %get3A_26 = vector.load %arg4[%get3A_24, %get3A_25] : memref<128x256xf32, #tpu.memory_space<vmem>>, vector<128x256xf32>
    %dot_general3A = arith.constant dense<0.000000e+00> : vector<640x256xf32>
    %dot_general3A_27 = tpu.matmul %mul3A_23, %get3A_26, %dot_general3A {dimension_numbers = #tpu.dot_dimension_numbers<[1], [0], [0], [1], [0, 0, 1, 1], [], []>, transpose_lhs_hint = false} : vector<640x128xf32>, vector<128x256xf32>, vector<640x256xf32> -> vector<640x256xf32>
    %get3A_28 = arith.constant 0 : index
    %get3A_29 = arith.constant 0 : index
    %get3A_30 = vector.load %arg5[%get3A_28, %get3A_29] : memref<1x256xf32, #tpu.memory_space<vmem>>, vector<1x256xf32>
    %get3A_31 = vector.shape_cast %get3A_30 : vector<1x256xf32> to vector<256xf32>
    %broadcast_in_dim3A = vector.shape_cast %get3A_31 : vector<256xf32> to vector<1x256xf32>
    %add3A_32 = vector.broadcast %broadcast_in_dim3A : vector<1x256xf32> to vector<640x256xf32>
    %add3A_33 = arith.addf %dot_general3A_27, %add3A_32 : vector<640x256xf32>
    %logistic3A = arith.negf %add3A_33 : vector<640x256xf32>
    %logistic3A_34 = math.exp %logistic3A : vector<640x256xf32>
    %logistic3A_35 = arith.constant 1.000000e+00 : f32
    %logistic3A_36 = vector.broadcast %logistic3A_35 : f32 to vector<640x256xf32>
    %logistic3A_37 = arith.addf %logistic3A_36, %logistic3A_34 : vector<640x256xf32>
    %logistic3A_38 = arith.divf %logistic3A_36, %logistic3A_37 : vector<640x256xf32>
    %mul3A_39 = arith.mulf %add3A_33, %logistic3A_38 : vector<640x256xf32>
    %swap3A = arith.constant 0 : index
    %swap3A_40 = arith.constant 0 : index
    %swap3A_41 = vector.load %arg7[%swap3A, %swap3A_40] : memref<640x128xf32, #tpu.memory_space<vmem>>, vector<640x128xf32>
    tpu.vector_store %arg7[%swap3A, %swap3A_40], %mul3A_23 {strides = array<i32>} : memref<640x128xf32, #tpu.memory_space<vmem>>, vector<640x128xf32>,
    %slice3A = vector.extract_strided_slice %mul3A_39 {offsets = [0, 0], sizes = [640, 128], strides = [1, 1]} : vector<640x256xf32> to vector<640x128xf32>
    %get3A_42 = arith.constant 0 : index
    %get3A_43 = arith.constant 0 : index
    %get3A_44 = vector.load %arg6[%get3A_42, %get3A_43] : memref<1x128xf32, #tpu.memory_space<vmem>>, vector<1x128xf32>
    %get3A_45 = vector.shape_cast %get3A_44 : vector<1x128xf32> to vector<128xf32>
    %broadcast_in_dim3A_46 = vector.shape_cast %get3A_45 : vector<128xf32> to vector<1x128xf32>
    %mul3A_47 = vector.broadcast %broadcast_in_dim3A_46 : vector<1x128xf32> to vector<640x128xf32>
    %mul3A_48 = arith.mulf %slice3A, %mul3A_47 : vector<640x128xf32>
    %swap3A_49 = arith.constant 0 : index
    %swap3A_50 = arith.constant 0 : index
    %swap3A_51 = vector.load %arg8[%swap3A_49, %swap3A_50] : memref<640x128xf32, #tpu.memory_space<vmem>>, vector<640x128xf32>
    tpu.vector_store %arg8[%swap3A_49, %swap3A_50], %mul3A_48 {strides = array<i32>} : memref<640x128xf32, #tpu.memory_space<vmem>>, vector<640x128xf32>,
    %slice3A_52 = vector.extract_strided_slice %mul3A_39 {offsets = [0, 128], sizes = [640, 128], strides = [1, 1]} : vector<640x256xf32> to vector<640x128xf32>
    %swap3A_53 = arith.constant 0 : index
    %swap3A_54 = arith.constant 0 : index
    %swap3A_55 = vector.load %arg9[%swap3A_53, %swap3A_54] : memref<640x128xf32, #tpu.memory_space<vmem>>, vector<640x128xf32>
    tpu.vector_store %arg9[%swap3A_53, %swap3A_54], %slice3A_52 {strides = array<i32>} : memref<640x128xf32, #tpu.memory_space<vmem>>, vector<640x128xf32>,
    return
  }
  func.func @transform_0(%arg0: i32) -> (i32, i32) {
    %c0_i32 = arith.constant 0 : i32
    %c0_i32_0 = arith.constant 0 : i32
    return %arg0, %c0_i32 : i32, i32
  }
  func.func @transform_1(%arg0: i32) -> (i32, i32) {
    %c0_i32 = arith.constant 0 : i32
    %c0_i32_0 = arith.constant 0 : i32
    return %arg0, %c0_i32 : i32, i32
  }
  func.func @transform_2(%arg0: i32) -> (i32, i32) {
    %c0_i32 = arith.constant 0 : i32
    %c0_i32_0 = arith.constant 0 : i32
    return %arg0, %c0_i32 : i32, i32
  }
  func.func @transform_3(%arg0: i32) -> (i32, i32) {
    %c0_i32 = arith.constant 0 : i32
    %c0_i32_0 = arith.constant 0 : i32
    %c0_i32_1 = arith.constant 0 : i32
    return %c0_i32, %c0_i32_0 : i32, i32
  }
  func.func @transform_4(%arg0: i32) -> (i32, i32) {
    %c0_i32 = arith.constant 0 : i32
    %c0_i32_0 = arith.constant 0 : i32
    %c0_i32_1 = arith.constant 0 : i32
    return %c0_i32, %c0_i32_0 : i32, i32
  }
  func.func @transform_5(%arg0: i32) -> (i32, i32) {
    %c0_i32 = arith.constant 0 : i32
    %c0_i32_0 = arith.constant 0 : i32
    %c0_i32_1 = arith.constant 0 : i32
    return %c0_i32, %c0_i32_0 : i32, i32
  }
  func.func @transform_6(%arg0: i32) -> (i32, i32) {
    %c0_i32 = arith.constant 0 : i32
    %c0_i32_0 = arith.constant 0 : i32
    return %arg0, %c0_i32 : i32, i32
  }
  func.func @transform_7(%arg0: i32) -> (i32, i32) {
    %c0_i32 = arith.constant 0 : i32
    %c0_i32_0 = arith.constant 0 : i32
    return %arg0, %c0_i32 : i32, i32
  }
  func.func @transform_8(%arg0: i32) -> (i32, i32) {
    %c0_i32 = arith.constant 0 : i32
    %c0_i32_0 = arith.constant 0 : i32
    return %arg0, %c0_i32 : i32, i32
  }
}

module attributes {stable_mosaic.version = 14 : i64} {
  func.func @_vecsum_mm_body(%arg0: i32, %arg1: memref<1000x8x128xf32, #tpu.memory_space<vmem>>, %arg2: memref<128x128xf32, #tpu.memory_space<vmem>>, %arg3: memref<1000x128xf32, #tpu.memory_space<vmem>>) attributes {dimension_semantics = [#tpu.dimension_semantics<arbitrary>], iteration_bounds = array<i64: 10>, scalar_prefetch = 0 : i64, scratch_operands = 0 : i64, tpu.core_type = #tpu.core_type<tc>, window_params = [{transform_indices = @transform_0, window_bounds = array<i64: 1000, 8, 128>}, {pipeline_mode = #tpu.pipeline_mode<synchronous>, transform_indices = @transform_1, window_bounds = array<i64: 128, 128>}, {transform_indices = @transform_2, window_bounds = array<i64: 1000, 128>}]} {
    %get3A = arith.constant 0 : index
    %get3A_0 = arith.constant 0 : index
    %get3A_1 = arith.constant 0 : index
    %get3A_2 = vector.load %arg1[%get3A, %get3A_0, %get3A_1] : memref<1000x8x128xf32, #tpu.memory_space<vmem>>, vector<1000x8x128xf32>
    %reduce_sum3A = arith.constant dense<0.000000e+00> : vector<1000x128xf32>
    %reduce_sum3A_3 = vector.multi_reduction <add>, %get3A_2, %reduce_sum3A [1] : vector<1000x8x128xf32> to vector<1000x128xf32>
    %get3A_4 = arith.constant 0 : index
    %get3A_5 = arith.constant 0 : index
    %get3A_6 = vector.load %arg2[%get3A_4, %get3A_5] : memref<128x128xf32, #tpu.memory_space<vmem>>, vector<128x128xf32>
    %dot_general3A = arith.constant dense<0.000000e+00> : vector<1000x128xf32>
    %dot_general3A_7 = tpu.matmul %reduce_sum3A_3, %get3A_6, %dot_general3A {dimension_numbers = #tpu.dot_dimension_numbers<[1], [0], [0], [1], [0, 0, 1, 1], [], []>, transpose_lhs_hint = false} : vector<1000x128xf32>, vector<128x128xf32>, vector<1000x128xf32> -> vector<1000x128xf32>
    %swap3A = arith.constant 0 : index
    %swap3A_8 = arith.constant 0 : index
    %swap3A_9 = vector.load %arg3[%swap3A, %swap3A_8] : memref<1000x128xf32, #tpu.memory_space<vmem>>, vector<1000x128xf32>
    tpu.vector_store %arg3[%swap3A, %swap3A_8], %dot_general3A_7 {strides = array<i32>} : memref<1000x128xf32, #tpu.memory_space<vmem>>, vector<1000x128xf32>,
    return
  }
  func.func @transform_0(%arg0: i32) -> (i32, i32, i32) {
    %c0_i32 = arith.constant 0 : i32
    %c0_i32_0 = arith.constant 0 : i32
    %c0_i32_1 = arith.constant 0 : i32
    return %arg0, %c0_i32, %c0_i32_0 : i32, i32, i32
  }
  func.func @transform_1(%arg0: i32) -> (i32, i32) {
    %c0_i32 = arith.constant 0 : i32
    %c0_i32_0 = arith.constant 0 : i32
    %c0_i32_1 = arith.constant 0 : i32
    return %c0_i32, %c0_i32_0 : i32, i32
  }
  func.func @transform_2(%arg0: i32) -> (i32, i32) {
    %c0_i32 = arith.constant 0 : i32
    %c0_i32_0 = arith.constant 0 : i32
    return %arg0, %c0_i32 : i32, i32
  }
}

module attributes {stable_mosaic.version = 14 : i64} {
  func.func @_mm_body(%arg0: i32, %arg1: memref<640x128xf32, #tpu.memory_space<vmem>>, %arg2: memref<128x128xf32, #tpu.memory_space<vmem>>, %arg3: memref<640x128xf32, #tpu.memory_space<vmem>>) attributes {dimension_semantics = [#tpu.dimension_semantics<arbitrary>], iteration_bounds = array<i64: 125>, scalar_prefetch = 0 : i64, scratch_operands = 0 : i64, tpu.core_type = #tpu.core_type<tc>, window_params = [{transform_indices = @transform_0, window_bounds = array<i64: 640, 128>}, {pipeline_mode = #tpu.pipeline_mode<synchronous>, transform_indices = @transform_1, window_bounds = array<i64: 128, 128>}, {transform_indices = @transform_2, window_bounds = array<i64: 640, 128>}]} {
    %get3A = arith.constant 0 : index
    %get3A_0 = arith.constant 0 : index
    %get3A_1 = vector.load %arg1[%get3A, %get3A_0] : memref<640x128xf32, #tpu.memory_space<vmem>>, vector<640x128xf32>
    %get3A_2 = arith.constant 0 : index
    %get3A_3 = arith.constant 0 : index
    %get3A_4 = vector.load %arg2[%get3A_2, %get3A_3] : memref<128x128xf32, #tpu.memory_space<vmem>>, vector<128x128xf32>
    %dot_general3A = arith.constant dense<0.000000e+00> : vector<640x128xf32>
    %dot_general3A_5 = tpu.matmul %get3A_1, %get3A_4, %dot_general3A {dimension_numbers = #tpu.dot_dimension_numbers<[1], [0], [0], [1], [0, 0, 1, 1], [], []>, transpose_lhs_hint = false} : vector<640x128xf32>, vector<128x128xf32>, vector<640x128xf32> -> vector<640x128xf32>
    %swap3A = arith.constant 0 : index
    %swap3A_6 = arith.constant 0 : index
    %swap3A_7 = vector.load %arg3[%swap3A, %swap3A_6] : memref<640x128xf32, #tpu.memory_space<vmem>>, vector<640x128xf32>
    tpu.vector_store %arg3[%swap3A, %swap3A_6], %dot_general3A_5 {strides = array<i32>} : memref<640x128xf32, #tpu.memory_space<vmem>>, vector<640x128xf32>,
    return
  }
  func.func @transform_0(%arg0: i32) -> (i32, i32) {
    %c0_i32 = arith.constant 0 : i32
    %c0_i32_0 = arith.constant 0 : i32
    return %arg0, %c0_i32 : i32, i32
  }
  func.func @transform_1(%arg0: i32) -> (i32, i32) {
    %c0_i32 = arith.constant 0 : i32
    %c0_i32_0 = arith.constant 0 : i32
    %c0_i32_1 = arith.constant 0 : i32
    return %c0_i32, %c0_i32_0 : i32, i32
  }
  func.func @transform_2(%arg0: i32) -> (i32, i32) {
    %c0_i32 = arith.constant 0 : i32
    %c0_i32_0 = arith.constant 0 : i32
    return %arg0, %c0_i32 : i32, i32
  }
}

module attributes {stable_mosaic.version = 14 : i64} {
  func.func @_final_body(%arg0: i32, %arg1: memref<1000x128xf32, #tpu.memory_space<vmem>>, %arg2: memref<128x384xf32, #tpu.memory_space<vmem>>, %arg3: memref<1x384xf32, #tpu.memory_space<vmem>>, %arg4: memref<1000x128xf32, #tpu.memory_space<vmem>>, %arg5: memref<1000x8x128xf32, #tpu.memory_space<vmem>>, %arg6: memref<1000x8x128xf32, #tpu.memory_space<vmem>>, %arg7: memref<1000x128xf32, #tpu.memory_space<vmem>>, %arg8: memref<1000x8x128xf32, #tpu.memory_space<vmem>>) attributes {dimension_semantics = [#tpu.dimension_semantics<arbitrary>], iteration_bounds = array<i64: 10>, scalar_prefetch = 0 : i64, scratch_operands = 0 : i64, tpu.core_type = #tpu.core_type<tc>, window_params = [{transform_indices = @transform_0, window_bounds = array<i64: 1000, 128>}, {pipeline_mode = #tpu.pipeline_mode<synchronous>, transform_indices = @transform_1, window_bounds = array<i64: 128, 384>}, {pipeline_mode = #tpu.pipeline_mode<synchronous>, transform_indices = @transform_2, window_bounds = array<i64: 1, 384>}, {transform_indices = @transform_3, window_bounds = array<i64: 1000, 128>}, {transform_indices = @transform_4, window_bounds = array<i64: 1000, 8, 128>}, {transform_indices = @transform_5, window_bounds = array<i64: 1000, 8, 128>}, {transform_indices = @transform_6, window_bounds = array<i64: 1000, 128>}, {transform_indices = @transform_7, window_bounds = array<i64: 1000, 8, 128>}]} {
    %get3A = arith.constant 0 : index
    %get3A_0 = arith.constant 0 : index
    %get3A_1 = vector.load %arg1[%get3A, %get3A_0] : memref<1000x128xf32, #tpu.memory_space<vmem>>, vector<1000x128xf32>
    %get3A_2 = arith.constant 0 : index
    %get3A_3 = arith.constant 0 : index
    %get3A_4 = vector.load %arg2[%get3A_2, %get3A_3] : memref<128x384xf32, #tpu.memory_space<vmem>>, vector<128x384xf32>
    %dot_general3A = arith.constant dense<0.000000e+00> : vector<1000x384xf32>
    %dot_general3A_5 = tpu.matmul %get3A_1, %get3A_4, %dot_general3A {dimension_numbers = #tpu.dot_dimension_numbers<[1], [0], [0], [1], [0, 0, 1, 1], [], []>, transpose_lhs_hint = false} : vector<1000x128xf32>, vector<128x384xf32>, vector<1000x384xf32> -> vector<1000x384xf32>
    %get3A_6 = arith.constant 0 : index
    %get3A_7 = arith.constant 0 : index
    %get3A_8 = vector.load %arg3[%get3A_6, %get3A_7] : memref<1x384xf32, #tpu.memory_space<vmem>>, vector<1x384xf32>
    %get3A_9 = vector.shape_cast %get3A_8 : vector<1x384xf32> to vector<384xf32>
    %broadcast_in_dim3A = vector.shape_cast %get3A_9 : vector<384xf32> to vector<1x384xf32>
    %add3A = vector.broadcast %broadcast_in_dim3A : vector<1x384xf32> to vector<1000x384xf32>
    %add3A_10 = arith.addf %dot_general3A_5, %add3A : vector<1000x384xf32>
    %slice3A = vector.extract_strided_slice %add3A_10 {offsets = [0, 0], sizes = [1000, 128], strides = [1, 1]} : vector<1000x384xf32> to vector<1000x128xf32>
    %slice3A_11 = vector.extract_strided_slice %add3A_10 {offsets = [0, 128], sizes = [1000, 128], strides = [1, 1]} : vector<1000x384xf32> to vector<1000x128xf32>
    %slice3A_12 = vector.extract_strided_slice %add3A_10 {offsets = [0, 256], sizes = [1000, 128], strides = [1, 1]} : vector<1000x384xf32> to vector<1000x128xf32>
    %get3A_13 = arith.constant 0 : index
    %get3A_14 = arith.constant 0 : index
    %get3A_15 = vector.load %arg4[%get3A_13, %get3A_14] : memref<1000x128xf32, #tpu.memory_space<vmem>>, vector<1000x128xf32>
    %mul3A = arith.mulf %get3A_15, %slice3A_11 : vector<1000x128xf32>
    %add3A_16 = arith.addf %mul3A, %slice3A_12 : vector<1000x128xf32>
    %swap3A = arith.constant 0 : index
    %swap3A_17 = arith.constant 0 : index
    %swap3A_18 = vector.load %arg7[%swap3A, %swap3A_17] : memref<1000x128xf32, #tpu.memory_space<vmem>>, vector<1000x128xf32>
    tpu.vector_store %arg7[%swap3A, %swap3A_17], %add3A_16 {strides = array<i32>} : memref<1000x128xf32, #tpu.memory_space<vmem>>, vector<1000x128xf32>,
    %get3A_19 = arith.constant 0 : index
    %get3A_20 = arith.constant 0 : index
    %get3A_21 = arith.constant 0 : index
    %get3A_22 = vector.load %arg5[%get3A_19, %get3A_20, %get3A_21] : memref<1000x8x128xf32, #tpu.memory_space<vmem>>, vector<1000x8x128xf32>
    %broadcast_in_dim3A_23 = vector.shape_cast %slice3A : vector<1000x128xf32> to vector<1000x1x128xf32>
    %mul3A_24 = vector.broadcast %broadcast_in_dim3A_23 : vector<1000x1x128xf32> to vector<1000x8x128xf32>
    %mul3A_25 = arith.mulf %get3A_22, %mul3A_24 : vector<1000x8x128xf32>
    %get3A_26 = arith.constant 0 : index
    %get3A_27 = arith.constant 0 : index
    %get3A_28 = arith.constant 0 : index
    %get3A_29 = vector.load %arg6[%get3A_26, %get3A_27, %get3A_28] : memref<1000x8x128xf32, #tpu.memory_space<vmem>>, vector<1000x8x128xf32>
    %add3A_30 = arith.addf %mul3A_25, %get3A_29 : vector<1000x8x128xf32>
    %swap3A_31 = arith.constant 0 : index
    %swap3A_32 = arith.constant 0 : index
    %swap3A_33 = arith.constant 0 : index
    %swap3A_34 = vector.load %arg8[%swap3A_31, %swap3A_32, %swap3A_33] : memref<1000x8x128xf32, #tpu.memory_space<vmem>>, vector<1000x8x128xf32>
    tpu.vector_store %arg8[%swap3A_31, %swap3A_32, %swap3A_33], %add3A_30 {strides = array<i32>} : memref<1000x8x128xf32, #tpu.memory_space<vmem>>, vector<1000x8x128xf32>,
    return
  }
  func.func @transform_0(%arg0: i32) -> (i32, i32) {
    %c0_i32 = arith.constant 0 : i32
    %c0_i32_0 = arith.constant 0 : i32
    return %arg0, %c0_i32 : i32, i32
  }
  func.func @transform_1(%arg0: i32) -> (i32, i32) {
    %c0_i32 = arith.constant 0 : i32
    %c0_i32_0 = arith.constant 0 : i32
    %c0_i32_1 = arith.constant 0 : i32
    return %c0_i32, %c0_i32_0 : i32, i32
  }
  func.func @transform_2(%arg0: i32) -> (i32, i32) {
    %c0_i32 = arith.constant 0 : i32
    %c0_i32_0 = arith.constant 0 : i32
    %c0_i32_1 = arith.constant 0 : i32
    return %c0_i32, %c0_i32_0 : i32, i32
  }
  func.func @transform_3(%arg0: i32) -> (i32, i32) {
    %c0_i32 = arith.constant 0 : i32
    %c0_i32_0 = arith.constant 0 : i32
    return %arg0, %c0_i32 : i32, i32
  }
  func.func @transform_4(%arg0: i32) -> (i32, i32, i32) {
    %c0_i32 = arith.constant 0 : i32
    %c0_i32_0 = arith.constant 0 : i32
    %c0_i32_1 = arith.constant 0 : i32
    return %arg0, %c0_i32, %c0_i32_0 : i32, i32, i32
  }
  func.func @transform_5(%arg0: i32) -> (i32, i32, i32) {
    %c0_i32 = arith.constant 0 : i32
    %c0_i32_0 = arith.constant 0 : i32
    %c0_i32_1 = arith.constant 0 : i32
    return %arg0, %c0_i32, %c0_i32_0 : i32, i32, i32
  }
  func.func @transform_6(%arg0: i32) -> (i32, i32) {
    %c0_i32 = arith.constant 0 : i32
    %c0_i32_0 = arith.constant 0 : i32
    return %arg0, %c0_i32 : i32, i32
  }
  func.func @transform_7(%arg0: i32) -> (i32, i32, i32) {
    %c0_i32 = arith.constant 0 : i32
    %c0_i32_0 = arith.constant 0 : i32
    %c0_i32_1 = arith.constant 0 : i32
    return %arg0, %c0_i32, %c0_i32_0 : i32, i32, i32
  }
}

</mosaic_0001>

<sc_bundles>
// kernel: gather_offload_async_start
scs
__scs_entry_jumppad:
0x0: {  	(pc) =	sbr.rel $0x88, $3  }
0x1: {  	(tag) =	ssettag $0x0;
	lr =	simm.s32 $0x1  }
0x2: {  	[smem:$0x3F8E] =	sst lr;
	_ =	strace $0xD0000000  }
0x3: {  	_ = 	snop  }
0x4: {  	_ = 	snop  }
0x5: {  	_ = 	snop  }
0x6: {  	_ = 	snop  }
0x7: {  	_ = 	snop  }
__scs_overlays_trampoline_lowered:
0x8: {  	[smem:$0x3F9D] =	sst s0  }
0x9: {  	[smem:$0x3F9E] =	sst s1  }
0xa: {  	[smem:$0x3F9F] =	sst s2  }
0xb: {  	[smem:$0x3FA0] =	sst s3  }
0xc: {  	[smem:$0x3FA1] =	sst s4  }
0xd: {  	[smem:$0x3FA2] =	sst s5  }
0xe: {  	[smem:$0x3FA3] =	sst s6  }
0xf: {  	[smem:$0x3FA4] =	sst s7  }
0x10: {  	[smem:$0x3FA5] =	sst s8  }
0x11: {  	[smem:$0x3FA6] =	sst s9;
	s0 =	simm.s32 @!p0 $0x0  }
0x12: {  	s1 =	sld [smem:$0x3F8C];
	s0 =	simm.s32 @p0 $0x1  }
0x13: {  	[smem:$0x3FA7] =	sst s0;
	s0 =	simm.s32 @!p1 $0x0  }
0x14: {  	s2 =	sld [smem:$0x3F8B];
	s0 =	simm.s32 @p1 $0x1  }
0x15: {  	[smem:$0x3FA8] =	sst s0;
	s0 =	simm.s32 @!p2 $0x0  }
0x16: {  	s3 =	sld [smem:$0x3FDB];
	s0 =	simm.s32 @p2 $0x1  }
0x17: {  	s4 =	simm.s32 $0x1BF5;
	[smem:$0x3FAA] =	sst s0  }
0x18: {  	s0 =	sld [smem:$0x3F8D];
	_ =	swait.ge [sflag:s4], $0x0  }
0x19: {  	s7 =	sld [smem:$0x3F8E]  }
0x1a: {  	s8 =	sadd.s32 $0xFFFFE003, lr  }
0x1b: {  	s9 =	sadd.s32 $0xFFFFFEF7, lr;
	s5 =	simm.s32 $0xFFFFFFFF;
	p2 =	slt.u32 s8, $0xFFFFF086  }
0x1c: {  	p1 =	slt.u32 s9, $0xF7A;
	s5 =	simm.s32 @!p2 $0x0  }
0x1d: {  	s5 =	simm.s32 @p1 $0x1;
	p0 =	seq.s32 s7, s2  }
0x1e: {  	s7 =	smul.u32 @!p0 $0xF7A, s2;
	p2 =	seq.s32 @!p0 s5, $0x0  }
0x1f: {  	s9 =	smul.u32 $0xF7A, s1;
	s8 =	simm.s32 @!p0 $0x1BF5;
	p2 =	por !p2, p0  }
0x20: {  	[sflag:s8] =	ssyncset.s32 @!p0 $0xFFFFF086;
	s6 =	sadd.s32 @!p0 s3, s7;
	s7 =	simm.s32 @!p0 $0x108  }
0x21: {  	s3 =	sadd.s32 s3, s9;
	s6 =	sadd.s32 @!p0 $0x88, s6;
	s7 =	simm.s32 @p2 $0x1082  }
0x22: {  	[simem:s7], [sflag:s8] =	dma.local @!p0 [hbm:s6], $0xF7A  }
0x23: {  	s9 =	sor.u32 $0xD0000000, s2;
	s6 =	simm.s32 $0x108;
	_ =	swait.ge @!p0 [sflag:s8], $0x0  }
0x24: {  	s3 =	sadd.s32 $0x88, s3;
	s6 =	simm.s32 @!p1 $0x1082;
	[sflag:s4] =	ssyncset.s32 $0xFFFFF086  }
0x25: {  	[simem:s6], [sflag:s4] =	dma.local [hbm:s3], $0xF7A  }
0x26: {  	[smem:$0x3F8E] =	sst s1;
	(tag) =	ssettag s2;
	_ =	strace s9  }
0x27: {  	s1 =	sld [smem:$0x3F9E]  }
0x28: {  	s2 =	sld [smem:$0x3F9F]  }
0x29: {  	s4 =	sld [smem:$0x3FA1]  }
0x2a: {  	p0 =	seq.s32 s5, $0x0;
	s5 =	sld [smem:$0x3FA2]  }
0x2b: {  	s6 =	sld [smem:$0x3FA3]  }
0x2c: {  	s7 =	sld [smem:$0x3FA4]  }
0x2d: {  	s3 =	simm.s32 $0x108;
	s8 =	sld [smem:$0x3FA5]  }
0x2e: {  	s3 =	simm.s32 @!p0 $0x1082;
	s9 =	sld [smem:$0x3FA6]  }
0x2f: {  	lr =	sadd.s32 s0, s3;
	s0 =	sld [smem:$0x3F9D]  }
0x30: {  	s3 =	sld [smem:$0x3FA0]  }
0x31: {  	[smem:$0x3FA9] =	sst s10  }
0x32: {  	s10 =	sld [smem:$0x3FA7];
	_ =	sdelay $0x3  }
0x33: {  	p0 =	seq.s32 s10, $0x1;
	s10 =	sld [smem:$0x3FA9];
	_ =	sdelay $0x3  }
0x34: {  	[smem:$0x3FA9] =	sst s10  }
0x35: {  	s10 =	sld [smem:$0x3FA8];
	_ =	sdelay $0x3  }
0x36: {  	p1 =	seq.s32 s10, $0x1;
	s10 =	sld [smem:$0x3FA9];
	_ =	sdelay $0x3  }
0x37: {  	[smem:$0x3FA9] =	sst s10  }
0x38: {  	s10 =	sld [smem:$0x3FAA]  }
0x39: {  	_ = 	snop;
	(pc) =	sbr.ind lr, $3  }
0x3a: {  	_ = 	snop  }
0x3b: {  	_ = 	snop  }
0x3c: {  	p2 =	seq.s32 s10, $0x1;
	s10 =	sld [smem:$0x3FA9]  }
0x3d: {  	_ =	shalt  }
0x3e: {  	_ =	shalt  }
0x3f: {  	_ =	shalt  }
0x40: {  	_ =	shalt  }
0x41: {  	_ =	shalt  }
0x42: {  	_ =	shalt  }
0x43: {  	_ =	shalt  }
0x44: {  	_ =	shalt  }
0x45: {  	_ =	shalt  }
0x46: {  	_ =	shalt  }
0x47: {  	_ =	shalt  }
0x48: {  	_ =	shalt  }
0x49: {  	_ =	shalt  }
0x4a: {  	_ =	shalt  }
0x4b: {  	_ =	shalt  }
0x4c: {  	_ =	shalt  }
0x4d: {  	_ =	shalt  }
0x4e: {  	_ =	shalt  }
0x4f: {  	_ =	shalt  }
0x50: {  	_ =	shalt  }
0x51: {  	_ =	shalt  }
0x52: {  	_ =	shalt  }
0x53: {  	_ =	shalt  }
0x54: {  	_ =	shalt  }
0x55: {  	_ =	shalt  }
0x56: {  	_ =	shalt  }
0x57: {  	_ =	shalt  }
0x58: {  	_ =	shalt  }
0x59: {  	_ =	shalt  }
0x5a: {  	_ =	shalt  }
0x5b: {  	_ =	shalt  }
0x5c: {  	_ =	shalt  }
0x5d: {  	_ =	shalt  }
0x5e: {  	_ =	shalt  }
0x5f: {  	_ =	shalt  }
0x60: {  	_ =	shalt  }
0x61: {  	_ =	shalt  }
0x62: {  	_ =	shalt  }
0x63: {  	_ =	shalt  }
0x64: {  	_ =	shalt  }
0x65: {  	_ =	shalt  }
0x66: {  	_ =	shalt  }
0x67: {  	_ =	shalt  }
0x68: {  	_ =	shalt  }
0x69: {  	_ =	shalt  }
0x6a: {  	_ =	shalt  }
0x6b: {  	_ =	shalt  }
0x6c: {  	_ =	shalt  }
0x6d: {  	_ =	shalt  }
0x6e: {  	_ =	shalt  }
0x6f: {  	_ =	shalt  }
0x70: {  	_ =	shalt  }
0x71: {  	_ =	shalt  }
0x72: {  	_ =	shalt  }
0x73: {  	_ =	shalt  }
0x74: {  	_ =	shalt  }
0x75: {  	_ =	shalt  }
0x76: {  	_ =	shalt  }
0x77: {  	_ =	shalt  }
0x78: {  	_ =	shalt  }
0x79: {  	_ =	shalt  }
0x7a: {  	_ =	shalt  }
0x7b: {  	_ =	shalt  }
0x7c: {  	_ =	shalt  }
0x7d: {  	_ =	shalt  }
0x7e: {  	_ =	shalt  }
0x7f: {  	_ =	shalt  }
0x80: {  	_ =	shalt  }
0x81: {  	_ =	shalt  }
0x82: {  	_ =	shalt  }
0x83: {  	_ =	shalt  }
0x84: {  	_ =	shalt  }
0x85: {  	_ =	shalt  }
0x86: {  	_ =	shalt  }
0x87: {  	_ =	shalt  }
.Lfunc_end0:
.L_simem_size_0:
called_computation.1_lowered:
.L_overlay_start_0:
0x88: {  	s2 =	sld [smem:$0x3FD9]  }
0x89: {  	s3 =	sld [smem:$0x3FFE];
	_ =	sdelay $0x1  }
0x8a: {  	s1 =	srdreg.scid  }
0x8b: {  	s0 =	sand.u32 $0x1, s1  }
0x8c: {  	s17 =	sshll.u32 s0, $0xA;
	s2 =	sadd.s32 s3, s2  }
0x8d: {  	s2 =	sadd.s32 s2, s17  }
0x8e: {  	[smem:$0x3FB5] =	sst s2  }
0x8f: {  	_ = 	snop  }
0x90: {  	s2 =	sld [smem:$0x3FC8];
	(tm) =	ssettm $0x1  }
0x91: {  	s18 =	sld [smem:$0x3FFB];
	_ =	sdelay $0x3  }
0x92: {  	_ =	strace s18  }
0x93: {  	s3 =	sld [smem:$0x3FFC];
	_ =	sdelay $0x3  }
0x94: {  	_ =	strace s3  }
0x95: {  	s3 =	sld [smem:$0x3FFD];
	_ =	sdelay $0x3  }
0x96: {  	_ =	strace s3  }
0x97: {  	_ =	strace $0x8FFFFFFF  }
0x98: {  	s19 =	sld [smem:$0x3FDB];
	_ =	sdelay $0x1  }
0x99: {  	s4 =	simm.s32 $_scs_section_size  }
0x9a: {  	s5 =	simm.s32 $_size__tile_overlayer_lowered;
	s6 =	simm.s32 $_tile_overlayer_lowered  }
0x9b: {  	s22 =	simm.s32 $0x1BFF;
	s21 =	sshll.u32 s6, $0x1;
	s3 =	sadd.s32 s4, s19  }
0x9c: {  	s7 =	simm.s32 $0x0;
	s20 =	sshll.u32 s5, $0x1;
	s5 =	sadd.s32 s21, s3  }
0x9d: {  	[timem:s7], [sflag:s22] =	dma.local [hbm:s5], s20  }
0x9e: {  	_ =	swait.ge [sflag:s22], s20  }
0x9f: {  	s4 =	ssub.s32 $0x0, s20;
	[sflag:s22] =	ssyncset.done $0x0  }
0xa0: {  	[sflag:s22] =	ssyncadd.s32 s4;
	_ =	sdelay $0x1  }
0xa1: {  	s23 =	simm.s32 $0x1B8B  }
0xa2: {  	_ =	swait.ge [sflag:s23], $0x1  }
0xa3: {  	[sflag:s23] =	ssyncset.done $0x0  }
0xa4: {  	s25 =	simm.s32 $0x1B8E;
	s24 =	sld [smem:$0x3FFE];
	[sflag:s23] =	ssyncadd.s32 $0xFFFFFFFF  }
0xa5: {  	s26 =	simm.s32 $execute0_lowered;
	[smem:$0x3FD2] =	sst s25  }
0xa6: {  	s5 =	sshll.u32 s26, $0x1;
	_ =	strace $0x80000046;
	[dreg:$0x1] =	wrdreg $0xFFFFFFFF  }
0xa7: {  	s28 =	simm.s32 $_size_execute0_lowered;
	s3 =	sadd.s32 s3, s5;
	[dreg:$0x0] =	wrdreg $0x0  }
0xa8: {  	s5 =	sshll.u32 s28, $0x1;
	[dreg:$0x2] =	wrdreg s3  }
0xa9: {  	[dreg:$0x3] =	wrdreg s5  }
0xaa: {  	[dreg:$0x4] =	wrdreg $0xC0  }
0xab: {  	_ =	task [dreg:s7], $0x5FFFF  }
0xac: {  	[dreg:$0x1] =	wrdreg $0xFFFFFFFF  }
0xad: {  	[dreg:$0x0] =	wrdreg $0x60  }
0xae: {  	[dreg:$0x2] =	wrdreg s2  }
0xaf: {  	[dreg:$0x3] =	wrdreg s24  }
0xb0: {  	[dreg:$0x4] =	wrdreg $0xA  }
0xb1: {  	_ =	task.clear_ibuf [dreg:s7], $0x5FFFF;
	_ =	strace $0x90000046  }
0xb2: {  	s29 =	simm.s32 $0xA;
	_ =	strace $0x80000048  }
0xb3: {  	_ =	swait.ge [sflag:s29], $0x1  }
0xb4: {  	[sflag:s29] =	ssyncadd.s32 $0xFFFFFFFF  }
0xb5: {  	_ =	strace $0x90000048  }
0xb6: {  	_ =	sfence  }
0xb7: {  	s30 =	sld [smem:$0x0];
	_ =	sdelay $0x2  }
0xb8: {  	s31 =	sshll.u32 s1, $0xD;
	s1 =	sshrl.u32 s1, $0x2  }
0xb9: {  	s3 =	sand.u32 $0x4000, s31;
	s1 =	sadd.s32 s1, s30  }
0xba: {  	s0 =	sor.u32 s3, s0;
	s1 =	sshll.u32 s1, $0x11  }
0xbb: {  	s0 =	sor.u32 s1, s0  }
0xbc: {  	s0 =	sadd.s32 $0x8F2B, s0  }
0xbd: {  	[sflag:s0] =	ssyncadd.remote.s32 $0x1  }
0xbe: {  	_ =	sfence.sel $0xFFFF  }
0xbf: {  	[dreg:$0x0] =	wrdreg $0xFFFFFFFF;
	(pc) =	sbr.abs _section_cstart, $3  }
0xc0: {  	[dreg:$0x1] =	wrdreg $0xFFFFFFFF  }
0xc1: {  	_ =	task.clear_ibuf [dreg:s7], $0x2FFFF;
	_ =	strace $0x9FFFFFFF  }
0xc2: {  	(tm) =	ssettm $0x7FFFFFFF  }
0xc3: {  	_ =	shalt  }
tec
execute0_lowered:
.L_overlay_start_1:
0x0: {  	(tag) =	ssettag $0x1  }
0x1: {  	s0 =	srdreg.scid  }
0x2: {  	s1 =	sshll.u32 s0, $0x4  }
0x3: {  	s0 =	stileid.u32;
	s1 =	sand.u32 $0x10, s1  }
0x4: {  	s1 =	sor.u32 s0, s1  }
0x5: {  	s2 =	smul.u32 $0x9C, s1  }
0x6: {  	s9 =	rddreg [dreg:$0x1];
	s6 =	simm.s32 $0x1;
	s3 =	smin.u32 s1, $0x8  }
0x7: {  	p0 =	slt.u32 s1, $0x8;
	s1 =	simm.s32 $0x13A0;
	s3 =	sadd.s32 s3, s2  }
0x8: {  	s7 =	simm.s32 $0x2;
	s1 =	simm.s32 @!p0 $0x1380;
	s3 =	sshll.u32 s3, $0x5  }
0x9: {  	s10 =	simm.s32 $0x3;
	s13 =	simm.s32 $0x0;
	s4 =	sadd.s32 s1, s3  }
0xa: {  	s12 =	simm.s32 $0x0;
	s5 =	sadd.s32 $0x7800, s9;
	s4 =	smin.u32 s4, $0x27100  }
.Ltmp0:
0xb: {  	s2 =	rddreg [dreg:$0x0];
	s8 =	ssub.s32 s4, s3;
	(pc) =	sbr.rel .LBB2_1-.Ltmp0, $4  }
0xc: {  	s1 =	rddreg [dreg:$0x2];
	_ =	strace $0x80000047;
	p0 =	sgt.s32 s8, $0x0  }
0xd: {  	s9 =	sadd.s32 $0xEBC800, s9;
	[sflag:s6] =	ssyncpa.u1 $0x0;
	s8 =	simm.s32 @!p0 $0x0  }
0xe: {  	s11 =	smov.u32 s3;
	[sflag:s7] =	ssyncpa.u1 $0x0;
	s8 =	sshrl.u32 s8, $0x5  }
0xf: {  	vm0 =	vmmov $0xffff;
	[sflag:s10] =	ssyncpa.u1 $0x0;
	p0 =	por $0x0, $0x0;
	s10 =	sadd.s32 $0x1, s8  }
.LBB2_4:
0x10: {  	[hbm:s17] =	stream.linear.scatter [tilespmem:s13], [sflag:$0x3], $0x400, $0x38;
	[tilespmem:$0x10040] =	vst v63  }
.LBB2_5:
0x11: {  	s13 =	sadd.s32 $0x20, s11  }
0x12: {  	s15 =	smov.u32 s3;
	p2 =	slt.s32 s13, s4  }
0x13: {  	s15 =	smov.u32 @p2 s13;
	p2 =	sne.s32 s12, s10  }
.Ltmp1:
0x14: {  	p1 =	slt.u32 s12, $0x2;
	(pc) =	sbr.rel @!p2 .LBB2_6-.Ltmp1, $4  }
0x15: {  	s14 =	simm.s32 @!p1 $0x3  }
0x16: {  	s16 =	sadd.s32 $0x1, s12;
	_ =	swait.ge @!p1 [sflag:s14], $0x8000  }
0x17: {  	p0 =	por !p0, !p0;
	s13 =	smov.u32 s11;
	[sflag:s14] =	ssyncset.done @!p1 $0x0  }
0x18: {  	s12 =	smov.u32 s16;
	s11 =	smov.u32 s15;
	[sflag:s14] =	ssyncadd.s32 @!p1 $0xFFFF8000  }
.LBB2_1:
0x19: {  	p1 =	sge.u32 s12, s8  }
0x1a: {  	s14 =	sxor.u32 @!p1 $0xFFFFFFFF, s12  }
0x1b: {  	s31 =	sadd.s32 $0xFFFFFFFF, s12;
	s15 =	sshrl.u32 @!p1 s11, $0x3;
	s14 =	sshll.u32 @!p1 s14, $0x5  }
0x1c: {  	s16 =	sand.u32 @!p1 $0x7, s11;
	s15 =	sadd.s32 @!p1 s5, s15;
	s14 =	sand.u32 @!p1 $0x20, s14  }
0x1d: {  	[tilespmem:s14], [sflag:$0x2] =	stream.linear.gather @!p1 [hbm4b:s15+s16], $0x20, $0x38;
	[tilespmem:$0x10040] =	vst v63  }
0x1e: {  	p1 =	sge.u32 s31, s8  }
.Ltmp2:
0x1f: {  	_ = 	snop;
	(pc) =	sbr.rel @p1 .LBB2_5-.Ltmp2, $1  }
0x20: {  	_ =	sdelay $0x3  }
0x21: {  	_ =	swait.ge [sflag:s7], $0x20  }
0x22: {  	s14 =	sand.u32 $0x1, s12;
	[sflag:s7] =	ssyncset.done $0x0  }
0x23: {  	s15 =	sshll.u32 s14, $0x5;
	[sflag:s7] =	ssyncadd.s32 $0xFFFFFFE0  }
0x24: {  	v0 =	vld.msk [tilespmem:s15+$0x0 ss:$0x1], $0xffff;
	_ =	sdelay $0x4  }
0x25: {  	vm1 =	vgt.s32 v0, $0x0  }
0x26: {  	v0 =	vnsel vm1, $0x0, v0  }
0x27: {  	v0 =	vmin.u32 v0, $0x270F  }
0x28: {  	v0 =	vshll.u32 v0, $0x7;
	_ =	sdelay $0x2  }
0x29: {  	s14 =	sshll.u32 s14, $0xF  }
0x2a: {  	s16 =	sor.u32 $0x40, s14;
	s15 =	sor.u32 $0x10, s15  }
0x2b: {  	[tilespmem:s16], [sflag:$0x1] =	stream.indirect_vreg.gather [hbm:s2], $0x400, v0, vm0, $0x38;
	[tilespmem:$0x10040] =	vst v63  }
0x2c: {  	v0 =	vld.msk [tilespmem:s15+$0x0 ss:$0x1], $0xffff;
	_ =	sdelay $0x4  }
0x2d: {  	vm1 =	vgt.s32 v0, $0x0  }
0x2e: {  	v0 =	vnsel vm1, $0x0, v0  }
0x2f: {  	v0 =	vmin.u32 v0, $0x270F  }
0x30: {  	v0 =	vshll.u32 v0, $0x7;
	_ =	sdelay $0x2  }
0x31: {  	s15 =	simm.s32 $0x1  }
0x32: {  	s31 =	sshll.u32 s13, $0x7;
	s14 =	sor.u32 $0x4040, s14;
	s15 =	simm.s32 @!p0 $0x0  }
0x33: {  	[tilespmem:s14], [sflag:$0x1] =	stream.indirect_vreg.gather [hbm:s2], $0x400, v0, vm0, $0x38;
	[tilespmem:$0x10040] =	vst v63  }
0x34: {  	s30 =	sshll.u32 s15, $0xF;
	s15 =	simm.s32 $0x80;
	_ =	swait.ge [sflag:s6], $0x8000  }
0x35: {  	s13 =	sor.u32 $0x40, s30;
	s14 =	sadd.s32 s31, s9;
	[sflag:s6] =	ssyncset.done $0x0  }
0x36: {  	s16 =	sadd.s32 $0x400, s13;
	s17 =	sadd.s32 $0x0, s14;
	[sflag:s6] =	ssyncadd.s32 $0xFFFF8000  }
.LBB2_3:
0x37: {  	[hbm:s17] =	stream.linear.scatter [tilespmem:s13], [sflag:$0x3], $0x400, $0x38;
	[tilespmem:$0x10040] =	vst v63  }
0x38: {  	s17 =	smov.u32 s15;
	s13 =	smov.u32 s16;
	p1 =	sne.s32 s15, $0xF80  }
.Ltmp3:
0x39: {  	s15 =	sadd.s32 $0x80, s15;
	(pc) =	sbr.rel @p1 .LBB2_3-.Ltmp3, $2  }
0x3a: {  	_ =	sdelay $0x2  }
0x3b: {  	s16 =	sadd.s32 $0x400, s16;
	s17 =	sadd.s32 s17, s14  }
.Ltmp4:
0x3c: {  	_ = 	snop;
	(pc) =	sbr.rel .LBB2_4-.Ltmp4, $1  }
0x3d: {  	_ =	sdelay $0x3  }
.LBB2_6:
0x3e: {  	_ =	sfence.sel $0x180000  }
0x3f: {  	s2 =	simm.s32 $0x2;
	[bflag:$0x0] =	sbarrier.arrive $0xFFFF  }
0x40: {  	s30 =	simm.s32 $0x3;
	[sflag:s2] =	ssyncpa.u1 $0x1  }
0x41: {  	s31 =	simm.s32 $0x1;
	[sflag:s30] =	ssyncpa.u1 $0x1  }
0x42: {  	[sflag:s31] =	ssyncpa.u1 $0x1  }
0x43: {  	p0 =	sne.s32 s0, $0x0;
	_ =	strace $0x90000047  }
0x44: {  	s0 =	sadd.s32 @!p0 $0x100000, s1;
	[bflag:$0x2] =	sbarrier.arrive $0xFFFF  }
0x45: {  	[sflag:s0] =	ssyncadd.tile.s32 @!p0 $0x1;
	_ =	shalt  }
.Lfunc_end2:
_tile_overlayer_lowered:
.L_overlay_start_2:
0x46: {  	(tag) =	ssettag $0x2  }
0x47: {  	s0 =	rddreg [dreg:$0x0];
	s2 =	stileid.u32  }
0x48: {  	s1 =	rddreg [dreg:$0x1];
	p0 =	sne.s32 s2, $0x0  }
0x49: {  	s3 =	rddreg [dreg:$0x2];
	[bflag:$0x3] =	sbarrier.arrive $0xFFFF;
	s2 =	simm.s32 @!p0 $0x1C01  }
0x4a: {  	[timem:s3], [sflag:s2] =	dma.local @!p0 [hbm:s0], s1  }
0x4b: {  	s0 =	simm.s32 @!p0 $0x1  }
0x4c: {  	_ =	swait.ge @!p0 [sflag:s0], s1  }
0x4d: {  	s1 =	ssub.s32 @!p0 $0x0, s1;
	[sflag:s0] =	ssyncset.done @!p0 $0x0  }
0x4e: {  	[sflag:s0] =	ssyncadd.s32 @!p0 s1  }
0x4f: {  	[bflag:$0x3] =	sbarrier.arrive $0xFFFF  }
0x50: {  	_ =	shalt  }

// kernel: scatter_offload_async_start
scs
__scs_entry_jumppad:
0x0: {  	(pc) =	sbr.rel $0x88, $3  }
0x1: {  	(tag) =	ssettag $0x0;
	lr =	simm.s32 $0x1  }
0x2: {  	[smem:$0x3F8E] =	sst lr;
	_ =	strace $0xD0000000  }
0x3: {  	_ = 	snop  }
0x4: {  	_ = 	snop  }
0x5: {  	_ = 	snop  }
0x6: {  	_ = 	snop  }
0x7: {  	_ = 	snop  }
__scs_overlays_trampoline_lowered:
0x8: {  	[smem:$0x3F9D] =	sst s0  }
0x9: {  	[smem:$0x3F9E] =	sst s1  }
0xa: {  	[smem:$0x3F9F] =	sst s2  }
0xb: {  	[smem:$0x3FA0] =	sst s3  }
0xc: {  	[smem:$0x3FA1] =	sst s4  }
0xd: {  	[smem:$0x3FA2] =	sst s5  }
0xe: {  	[smem:$0x3FA3] =	sst s6  }
0xf: {  	[smem:$0x3FA4] =	sst s7  }
0x10: {  	[smem:$0x3FA5] =	sst s8  }
0x11: {  	[smem:$0x3FA6] =	sst s9;
	s0 =	simm.s32 @!p0 $0x0  }
0x12: {  	s1 =	sld [smem:$0x3F8C];
	s0 =	simm.s32 @p0 $0x1  }
0x13: {  	[smem:$0x3FA7] =	sst s0;
	s0 =	simm.s32 @!p1 $0x0  }
0x14: {  	s2 =	sld [smem:$0x3F8B];
	s0 =	simm.s32 @p1 $0x1  }
0x15: {  	[smem:$0x3FA8] =	sst s0;
	s0 =	simm.s32 @!p2 $0x0  }
0x16: {  	s3 =	sld [smem:$0x3FDB];
	s0 =	simm.s32 @p2 $0x1  }
0x17: {  	s4 =	simm.s32 $0x1BF5;
	[smem:$0x3FAA] =	sst s0  }
0x18: {  	s0 =	sld [smem:$0x3F8D];
	_ =	swait.ge [sflag:s4], $0x0  }
0x19: {  	s7 =	sld [smem:$0x3F8E]  }
0x1a: {  	s8 =	sadd.s32 $0xFFFFE003, lr  }
0x1b: {  	s9 =	sadd.s32 $0xFFFFFEF7, lr;
	s5 =	simm.s32 $0xFFFFFFFF;
	p2 =	slt.u32 s8, $0xFFFFF086  }
0x1c: {  	p1 =	slt.u32 s9, $0xF7A;
	s5 =	simm.s32 @!p2 $0x0  }
0x1d: {  	s5 =	simm.s32 @p1 $0x1;
	p0 =	seq.s32 s7, s2  }
0x1e: {  	s7 =	smul.u32 @!p0 $0xF7A, s2;
	p2 =	seq.s32 @!p0 s5, $0x0  }
0x1f: {  	s9 =	smul.u32 $0xF7A, s1;
	s8 =	simm.s32 @!p0 $0x1BF5;
	p2 =	por !p2, p0  }
0x20: {  	[sflag:s8] =	ssyncset.s32 @!p0 $0xFFFFF086;
	s6 =	sadd.s32 @!p0 s3, s7;
	s7 =	simm.s32 @!p0 $0x108  }
0x21: {  	s3 =	sadd.s32 s3, s9;
	s6 =	sadd.s32 @!p0 $0x88, s6;
	s7 =	simm.s32 @p2 $0x1082  }
0x22: {  	[simem:s7], [sflag:s8] =	dma.local @!p0 [hbm:s6], $0xF7A  }
0x23: {  	s9 =	sor.u32 $0xD0000000, s2;
	s6 =	simm.s32 $0x108;
	_ =	swait.ge @!p0 [sflag:s8], $0x0  }
0x24: {  	s3 =	sadd.s32 $0x88, s3;
	s6 =	simm.s32 @!p1 $0x1082;
	[sflag:s4] =	ssyncset.s32 $0xFFFFF086  }
0x25: {  	[simem:s6], [sflag:s4] =	dma.local [hbm:s3], $0xF7A  }
0x26: {  	[smem:$0x3F8E] =	sst s1;
	(tag) =	ssettag s2;
	_ =	strace s9  }
0x27: {  	s1 =	sld [smem:$0x3F9E]  }
0x28: {  	s2 =	sld [smem:$0x3F9F]  }
0x29: {  	s4 =	sld [smem:$0x3FA1]  }
0x2a: {  	p0 =	seq.s32 s5, $0x0;
	s5 =	sld [smem:$0x3FA2]  }
0x2b: {  	s6 =	sld [smem:$0x3FA3]  }
0x2c: {  	s7 =	sld [smem:$0x3FA4]  }
0x2d: {  	s3 =	simm.s32 $0x108;
	s8 =	sld [smem:$0x3FA5]  }
0x2e: {  	s3 =	simm.s32 @!p0 $0x1082;
	s9 =	sld [smem:$0x3FA6]  }
0x2f: {  	lr =	sadd.s32 s0, s3;
	s0 =	sld [smem:$0x3F9D]  }
0x30: {  	s3 =	sld [smem:$0x3FA0]  }
0x31: {  	[smem:$0x3FA9] =	sst s10  }
0x32: {  	s10 =	sld [smem:$0x3FA7];
	_ =	sdelay $0x3  }
0x33: {  	p0 =	seq.s32 s10, $0x1;
	s10 =	sld [smem:$0x3FA9];
	_ =	sdelay $0x3  }
0x34: {  	[smem:$0x3FA9] =	sst s10  }
0x35: {  	s10 =	sld [smem:$0x3FA8];
	_ =	sdelay $0x3  }
0x36: {  	p1 =	seq.s32 s10, $0x1;
	s10 =	sld [smem:$0x3FA9];
	_ =	sdelay $0x3  }
0x37: {  	[smem:$0x3FA9] =	sst s10  }
0x38: {  	s10 =	sld [smem:$0x3FAA]  }
0x39: {  	_ = 	snop;
	(pc) =	sbr.ind lr, $3  }
0x3a: {  	_ = 	snop  }
0x3b: {  	_ = 	snop  }
0x3c: {  	p2 =	seq.s32 s10, $0x1;
	s10 =	sld [smem:$0x3FA9]  }
0x3d: {  	_ =	shalt  }
0x3e: {  	_ =	shalt  }
0x3f: {  	_ =	shalt  }
0x40: {  	_ =	shalt  }
0x41: {  	_ =	shalt  }
0x42: {  	_ =	shalt  }
0x43: {  	_ =	shalt  }
0x44: {  	_ =	shalt  }
0x45: {  	_ =	shalt  }
0x46: {  	_ =	shalt  }
0x47: {  	_ =	shalt  }
0x48: {  	_ =	shalt  }
0x49: {  	_ =	shalt  }
0x4a: {  	_ =	shalt  }
0x4b: {  	_ =	shalt  }
0x4c: {  	_ =	shalt  }
0x4d: {  	_ =	shalt  }
0x4e: {  	_ =	shalt  }
0x4f: {  	_ =	shalt  }
0x50: {  	_ =	shalt  }
0x51: {  	_ =	shalt  }
0x52: {  	_ =	shalt  }
0x53: {  	_ =	shalt  }
0x54: {  	_ =	shalt  }
0x55: {  	_ =	shalt  }
0x56: {  	_ =	shalt  }
0x57: {  	_ =	shalt  }
0x58: {  	_ =	shalt  }
0x59: {  	_ =	shalt  }
0x5a: {  	_ =	shalt  }
0x5b: {  	_ =	shalt  }
0x5c: {  	_ =	shalt  }
0x5d: {  	_ =	shalt  }
0x5e: {  	_ =	shalt  }
0x5f: {  	_ =	shalt  }
0x60: {  	_ =	shalt  }
0x61: {  	_ =	shalt  }
0x62: {  	_ =	shalt  }
0x63: {  	_ =	shalt  }
0x64: {  	_ =	shalt  }
0x65: {  	_ =	shalt  }
0x66: {  	_ =	shalt  }
0x67: {  	_ =	shalt  }
0x68: {  	_ =	shalt  }
0x69: {  	_ =	shalt  }
0x6a: {  	_ =	shalt  }
0x6b: {  	_ =	shalt  }
0x6c: {  	_ =	shalt  }
0x6d: {  	_ =	shalt  }
0x6e: {  	_ =	shalt  }
0x6f: {  	_ =	shalt  }
0x70: {  	_ =	shalt  }
0x71: {  	_ =	shalt  }
0x72: {  	_ =	shalt  }
0x73: {  	_ =	shalt  }
0x74: {  	_ =	shalt  }
0x75: {  	_ =	shalt  }
0x76: {  	_ =	shalt  }
0x77: {  	_ =	shalt  }
0x78: {  	_ =	shalt  }
0x79: {  	_ =	shalt  }
0x7a: {  	_ =	shalt  }
0x7b: {  	_ =	shalt  }
0x7c: {  	_ =	shalt  }
0x7d: {  	_ =	shalt  }
0x7e: {  	_ =	shalt  }
0x7f: {  	_ =	shalt  }
0x80: {  	_ =	shalt  }
0x81: {  	_ =	shalt  }
0x82: {  	_ =	shalt  }
0x83: {  	_ =	shalt  }
0x84: {  	_ =	shalt  }
0x85: {  	_ =	shalt  }
0x86: {  	_ =	shalt  }
0x87: {  	_ =	shalt  }
.Lfunc_end0:
.L_simem_size_0:
called_computation_lowered:
.L_overlay_start_0:
0x88: {  	s2 =	sld [smem:$0x3FD9]  }
0x89: {  	s3 =	sld [smem:$0x3FFE];
	_ =	sdelay $0x1  }
0x8a: {  	s1 =	srdreg.scid  }
0x8b: {  	s0 =	sand.u32 $0x1, s1  }
0x8c: {  	s15 =	sshll.u32 s0, $0xA;
	s2 =	sadd.s32 s3, s2  }
0x8d: {  	s2 =	sadd.s32 s2, s15  }
0x8e: {  	[smem:$0x3FB5] =	sst s2  }
0x8f: {  	_ = 	snop  }
0x90: {  	s2 =	sld [smem:$0x3FD0];
	_ =	sdelay $0x2  }
0x91: {  	s16 =	simm.s32 $0xB;
	s4 =	simm.s32 $0x10  }
0x92: {  	[smem:s4], [sflag:s16] =	dma.local [hbm:s2], $0x1  }
0x93: {  	_ =	swait.eq [sflag:s16], $0x1  }
0x94: {  	[sflag:s16] =	ssyncset.done $0x0  }
0x95: {  	[sflag:s16] =	ssyncadd.s32 $0xFFFFFFFF  }
0x96: {  	s17 =	sld [smem:$0x10];
	(tm) =	ssettm $0x1  }
0x97: {  	s18 =	sld [smem:$0x3FFB];
	_ =	sdelay $0x3  }
0x98: {  	_ =	strace s18  }
0x99: {  	s2 =	sld [smem:$0x3FFC];
	_ =	sdelay $0x3  }
0x9a: {  	_ =	strace s2  }
0x9b: {  	s2 =	sld [smem:$0x3FFD];
	_ =	sdelay $0x3  }
0x9c: {  	_ =	strace s2  }
0x9d: {  	_ =	strace $0x8FFFFFFF  }
0x9e: {  	s19 =	sld [smem:$0x3FDB];
	_ =	sdelay $0x1  }
0x9f: {  	s20 =	simm.s32 $_scs_section_size  }
0xa0: {  	s5 =	simm.s32 $_size__tile_overlayer_lowered;
	s6 =	simm.s32 $_tile_overlayer_lowered  }
0xa1: {  	s7 =	simm.s32 $0x1BFF;
	s21 =	sshll.u32 s6, $0x1;
	s4 =	sadd.s32 s20, s19  }
0xa2: {  	s22 =	simm.s32 $0x0;
	s5 =	sshll.u32 s5, $0x1;
	s6 =	sadd.s32 s21, s4  }
0xa3: {  	[timem:s22], [sflag:s7] =	dma.local [hbm:s6], s5  }
0xa4: {  	_ =	swait.ge [sflag:s7], s5  }
0xa5: {  	s5 =	ssub.s32 $0x0, s5;
	[sflag:s7] =	ssyncset.done $0x0  }
0xa6: {  	[sflag:s7] =	ssyncadd.s32 s5;
	_ =	sdelay $0x1  }
0xa7: {  	s23 =	simm.s32 $0x1B8B  }
0xa8: {  	_ =	swait.ge [sflag:s23], $0x1  }
0xa9: {  	[sflag:s23] =	ssyncset.done $0x0  }
0xaa: {  	[sflag:s23] =	ssyncadd.s32 $0xFFFFFFFF  }
0xab: {  	s5 =	sld [smem:$0x0]  }
0xac: {  	s6 =	sand.u32 $0xFFFFFFFE, s1  }
0xad: {  	p0 =	sne.s32 s1, s6  }
0xae: {  	s6 =	sshll.u32 @p0 s6, $0xE  }
0xaf: {  	s6 =	sadd.s32 @p0 $0x11B8D, s6;
	s7 =	sshll.u32 @p0 s5, $0x11  }
0xb0: {  	s6 =	sor.u32 @p0 s7, s6  }
0xb1: {  	[sflag:s6] =	ssyncadd.remote.s32 @p0 $0x1;
	_ =	sdelay $0x1  }
0xb2: {  	s6 =	simm.s32 @p0 $0x1B8D  }
0xb3: {  	_ =	swait.eq @p0 [sflag:s6], $0x1  }
0xb4: {  	[sflag:s6] =	ssyncadd.s32 @p0 $0xFFFFFFFF  }
0xb5: {  	s7 =	sshll.u32 @!p0 s1, $0xE  }
0xb6: {  	s7 =	sor.u32 @!p0 $0x4000, s7;
	s6 =	simm.s32 @!p0 $0x1B8D  }
0xb7: {  	s8 =	sshll.u32 @!p0 s5, $0x11;
	s7 =	sadd.s32 @!p0 $0x11B8D, s7;
	_ =	swait.eq @!p0 [sflag:s6], $0x1  }
0xb8: {  	[sflag:s6] =	ssyncadd.s32 @!p0 $0xFFFFFFFF;
	s6 =	sor.u32 @!p0 s8, s7  }
0xb9: {  	s25 =	simm.s32 $0x1B8E;
	s24 =	sld [smem:$0x3FFE];
	[sflag:s6] =	ssyncadd.remote.s32 @!p0 $0x1  }
0xba: {  	s26 =	simm.s32 $execute0_lowered;
	[smem:$0x3FD2] =	sst s25  }
0xbb: {  	s7 =	sshll.u32 s26, $0x1;
	_ =	strace $0x80000049;
	[dreg:$0x1] =	wrdreg $0xFFFFFFFF  }
0xbc: {  	s28 =	simm.s32 $_size_execute0_lowered;
	s4 =	sadd.s32 s4, s7;
	[dreg:$0x0] =	wrdreg $0x0  }
0xbd: {  	s7 =	sshll.u32 s28, $0x1;
	[dreg:$0x2] =	wrdreg s4  }
0xbe: {  	[dreg:$0x3] =	wrdreg s7  }
0xbf: {  	[dreg:$0x4] =	wrdreg $0xC0  }
0xc0: {  	_ =	task [dreg:s22], $0x5FFFF  }
0xc1: {  	[dreg:$0x1] =	wrdreg $0xFFFFFFFF  }
0xc2: {  	[dreg:$0x0] =	wrdreg $0x60  }
0xc3: {  	[dreg:$0x2] =	wrdreg s17  }
0xc4: {  	[dreg:$0x3] =	wrdreg s24  }
0xc5: {  	[dreg:$0x4] =	wrdreg s1  }
0xc6: {  	[dreg:$0x5] =	wrdreg s5  }
0xc7: {  	[dreg:$0x6] =	wrdreg $0x9  }
0xc8: {  	_ =	task.clear_ibuf [dreg:s22], $0x7FFFF;
	_ =	strace $0x90000049  }
0xc9: {  	s29 =	simm.s32 $0x9;
	_ =	strace $0x8000004B  }
0xca: {  	_ =	swait.ge [sflag:s29], $0x1  }
0xcb: {  	[sflag:s29] =	ssyncadd.s32 $0xFFFFFFFF  }
0xcc: {  	_ =	strace $0x9000004B  }
0xcd: {  	_ =	sfence  }
0xce: {  	s30 =	sld [smem:$0x0];
	_ =	sdelay $0x2  }
0xcf: {  	s31 =	sshll.u32 s1, $0xD;
	s1 =	sshrl.u32 s1, $0x2  }
0xd0: {  	s4 =	sand.u32 $0x4000, s31;
	s1 =	sadd.s32 s1, s30  }
0xd1: {  	s0 =	sor.u32 s4, s0;
	s1 =	sshll.u32 s1, $0x11  }
0xd2: {  	s0 =	sor.u32 s1, s0  }
0xd3: {  	s0 =	sadd.s32 $0x8F2B, s0  }
0xd4: {  	[sflag:s0] =	ssyncadd.remote.s32 $0x1  }
0xd5: {  	_ =	sfence.sel $0xFFFF  }
0xd6: {  	[dreg:$0x0] =	wrdreg $0xFFFFFFFF;
	(pc) =	sbr.abs _section_cstart, $3  }
0xd7: {  	[dreg:$0x1] =	wrdreg $0xFFFFFFFF  }
0xd8: {  	_ =	task.clear_ibuf [dreg:s22], $0x2FFFF;
	_ =	strace $0x9FFFFFFF  }
0xd9: {  	(tm) =	ssettm $0x7FFFFFFF  }
tec
execute0_lowered:
.L_overlay_start_1:
0x0: {  	(tag) =	ssettag $0x1  }
0x1: {  	s1 =	rddreg [dreg:$0x0]  }
0x2: {  	s2 =	rddreg [dreg:$0x1]  }
0x3: {  	s3 =	rddreg [dreg:$0x2];
	_ =	strace $0x8000004A;
	s0 =	simm.s32 $0x1  }
0x4: {  	v0 =	vimm.s32 $0x0;
	[sflag:s0] =	ssyncpa.u1 $0x0;
	s0 =	simm.s32 $0x108  }
0x5: {  	[tilespmem:s0+$0x70] =	vst v0  }
0x6: {  	[tilespmem:s0+$0x60] =	vst v0  }
0x7: {  	[tilespmem:s0+$0x50] =	vst v0  }
0x8: {  	[tilespmem:s0+$0x40] =	vst v0  }
0x9: {  	[tilespmem:s0+$0x30] =	vst v0  }
0xa: {  	s15 =	sadd.s32 $0x4EE800, s2;
	s6 =	sadd.s32 $0xC4B800, s2;
	[tilespmem:s0+$0x20] =	vst v0  }
0xb: {  	s14 =	sadd.s32 $0x4F3800, s2;
	s5 =	sand.u32 $0x1, s3;
	s3 =	simm.s32 $0x40;
	[tilespmem:s0+$0x10] =	vst v0  }
.LBB2_1:
0xc: {  	s3 =	sadd.s32 $0x40, s3;
	[tilespmem:s0+$0x0] =	vst v0;
	s0 =	sadd.s32 $0x80, s0  }
0xd: {  	p0 =	slt.u32 s3, $0x3C40;
	[tilespmem:s0+$0x70] =	vst v0  }
0xe: {  	[tilespmem:s0+$0x60] =	vst v0  }
.Ltmp0:
0xf: {  	[tilespmem:s0+$0x50] =	vst v0;
	(pc) =	sbr.rel @p0 .LBB2_1-.Ltmp0, $4  }
0x10: {  	[tilespmem:s0+$0x40] =	vst v0  }
0x11: {  	[tilespmem:s0+$0x30] =	vst v0  }
0x12: {  	[tilespmem:s0+$0x20] =	vst v0  }
0x13: {  	[tilespmem:s0+$0x10] =	vst v0  }
0x14: {  	s9 =	stileid.u32  }
0x15: {  	s2 =	smul.u32 $0x14, s9  }
0x16: {  	s3 =	smin.u32 s9, $0xE  }
0x17: {  	s2 =	sadd.s32 s3, s2  }
0x18: {  	p0 =	slt.u32 s9, $0xE;
	s7 =	smul.u32 $0xF0, s2;
	s2 =	simm.s32 $0x13B0  }
0x19: {  	s2 =	simm.s32 @!p0 $0x12C0  }
0x1a: {  	s2 =	sadd.s32 s2, s7  }
0x1b: {  	s8 =	smin.u32 s2, $0x13880  }
0x1c: {  	s2 =	ssub.s32 s8, s7  }
0x1d: {  	p0 =	sgt.s32 s2, $0x0  }
0x1e: {  	s29 =	simm.s32 $0x2;
	s10 =	simm.s32 $0x9;
	s2 =	simm.s32 @!p0 $0x0  }
0x1f: {  	s4 =	simm.s32 $0xA;
	s11 =	simm.s32 $0xB;
	s28 =	smulhi.u32 $0x88888889, s2  }
0x20: {  	[dreg:$0x5] =	wrdreg s5;
	s31 =	smul.u32 $0x2710, s5;
	s12 =	simm.s32 $0x1  }
0x21: {  	s22 =	simm.s32 $0x0;
	s18 =	simm.s32 $0xC;
	s30 =	sshrl.u32 s28, $0x7  }
0x22: {  	s20 =	simm.s32 $0x0;
	s21 =	simm.s32 $0x0;
	s3 =	smul.u32 $0xF0, s30  }
.Ltmp1:
0x23: {  	[tilespmem:s0+$0x0] =	vst v0;
	v0 =	vimm.s32 $0xFFFFFFFF;
	[sflag:s29] =	ssyncpa.u1 $0x0;
	s16 =	sshll.u32 s9, $0x8;
	(pc) =	sbr.rel .LBB2_3-.Ltmp1, $4  }
0x24: {  	[tilespmem:$0xF208] =	vst v0;
	[sflag:s10] =	ssyncpa.u1 $0x0;
	p0 =	sne.s32 s2, s3;
	s2 =	simm.s32 $0x1  }
0x25: {  	s14 =	sadd.s32 s31, s14;
	[sflag:s4] =	ssyncpa.u1 $0x0;
	s2 =	simm.s32 @!p0 $0x0  }
0x26: {  	s15 =	sadd.s32 s31, s15;
	[sflag:s11] =	ssyncpa.u1 $0x0;
	s13 =	sadd.s32 s2, s30  }
0x27: {  	v0 =	vlaneseq.u32;
	s19 =	smov.u32 s7;
	p0 =	por $0x0, $0x0;
	s17 =	sadd.s32 $0x1, s13  }
.LBB2_18:
0x28: {  	s0 =	sshrl.u32 s31, $0x2  }
.LBB2_20:
0x29: {  	_ =	swait.ge [sflag:s18], s0  }
0x2a: {  	s31 =	ssub.s32 $0x0, s0;
	v1 =	vmov s24;
	vm0 =	veq.s32 v0, $0x0;
	[sflag:s18] =	ssyncset.done $0x0  }
0x2b: {  	vm15 =	veq.s32 v0, $0x2;
	v1 =	vsel vm0, s30, v1;
	[sflag:s18] =	ssyncadd.s32 s31  }
0x2c: {  	v1 =	vsel vm15, s22, v1;
	[sflag:s18] =	ssyncpa.u1 $0x1  }
0x2d: {  	[tilespmem:$0xF208] =	vst v1  }
.LBB2_21:
0x2e: {  	s0 =	sadd.s32 $0xF0, s19  }
0x2f: {  	s2 =	smov.u32 s7;
	p1 =	slt.s32 s0, s8  }
0x30: {  	s2 =	smov.u32 @p1 s0;
	p1 =	sne.s32 s21, s17  }
.Ltmp2:
0x31: {  	_ = 	snop;
	(pc) =	sbr.rel @!p1 .LBB2_22-.Ltmp2, $3  }
0x32: {  	_ =	sdelay $0x1  }
0x33: {  	s22 =	smov.u32 s20;
	s31 =	sadd.s32 $0x1, s21;
	s20 =	smov.u32 s19  }
0x34: {  	p0 =	por !p0, !p0;
	s21 =	smov.u32 s31;
	s19 =	smov.u32 s2  }
.LBB2_3:
0x35: {  	p1 =	sge.u32 s21, s13  }
0x36: {  	s0 =	smulhi.u32 @!p1 $0xAAAAAAAB, s21  }
0x37: {  	s2 =	smov.u32 s19;
	p2 =	sgt.s32 @!p1 s19, $0x13790  }
0x38: {  	s3 =	sshra.s32 @!p1 s19, $0x1F;
	p2 =	por !p2, p1;
	s0 =	sshrl.u32 @!p1 s0, $0x1  }
0x39: {  	s3 =	sand.u32 @!p1 s3, s19;
	s2 =	simm.s32 @p2 $0x13790;
	s0 =	smul.u32 @!p1 $0x3, s0  }
0x3a: {  	s2 =	ssub.s32 @!p1 s2, s3  }
0x3b: {  	s2 =	sadd.s32 @!p1 $0xFFFEC870, s2;
	s0 =	ssub.s32 @!p1 s21, s0  }
0x3c: {  	s3 =	sshll.u32 @!p1 s2, $0x2;
	p2 =	sgt.s32 @!p1 s2, $0xEF;
	s0 =	smul.u32 @!p1 $0x3C0, s0  }
0x3d: {  	s4 =	sand.u32 @!p1 $0x7, s19;
	s2 =	ssub.s32 @!p1 $0x3C0, s3;
	p2 =	por !p2, p1  }
0x3e: {  	s3 =	sshrl.u32 @!p1 s19, $0x3;
	s2 =	sshrl.u32 @!p1 s2, $0x2;
	s0 =	sshrl.u32 @!p1 s0, $0x2  }
0x3f: {  	s3 =	sadd.s32 @!p1 s3, s14;
	s2 =	simm.s32 @!p2 $0x0;
	s0 =	sadd.s32 @!p1 $0x10248, s0  }
0x40: {  	[tilespmem:s0], [sflag:$0xA] =	stream.linear.gather @!p1 [hbm4b:s3+s4], s2, $0x38;
	[tilespmem:$0x1F6F8] =	vst v63  }
0x41: {  	s0 =	sadd.s32 $0xFFFFFFFF, s21  }
0x42: {  	p1 =	sge.u32 s0, s13  }
0x43: {  	p2 =	sgt.s32 @!p1 s20, $0x13790  }
0x44: {  	s2 =	smov.u32 s20;
	s3 =	sshra.s32 @!p1 s20, $0x1F;
	p2 =	por !p2, p1  }
0x45: {  	s3 =	sand.u32 @!p1 s3, s20;
	s2 =	simm.s32 @p2 $0x13790  }
0x46: {  	s2 =	ssub.s32 @!p1 s2, s3  }
0x47: {  	s2 =	sadd.s32 @!p1 $0xFFFEC870, s2  }
0x48: {  	s4 =	sand.u32 @!p1 $0x1, s0;
	s3 =	sshll.u32 @!p1 s2, $0x2  }
0x49: {  	p2 =	sgt.s32 @!p1 s2, $0xEF;
	s2 =	ssub.s32 @!p1 $0x3C0, s3;
	s3 =	smulhi.u32 @!p1 $0xAAAAAAAB, s0  }
0x4a: {  	s23 =	smul.u32 @!p1 $0x3C0, s4;
	p2 =	por !p2, p1;
	s2 =	sshrl.u32 @!p1 s2, $0x2  }
0x4b: {  	s5 =	simm.s32 @!p1 $0xA;
	s2 =	simm.s32 @!p2 $0x0;
	s3 =	sshrl.u32 @!p1 s3, $0x1  }
0x4c: {  	s23 =	sshrl.u32 @!p1 s23, $0x2;
	_ =	swait.ge @!p1 [sflag:s5], s2;
	s3 =	smul.u32 @!p1 $0x3, s3  }
0x4d: {  	s23 =	sadd.s32 @!p1 $0x10518, s23;
	s24 =	ssub.s32 @!p1 $0x0, s2;
	[sflag:s5] =	ssyncset.done @!p1 $0x0  }
0x4e: {  	[sflag:s5] =	ssyncadd.s32 @!p1 s24;
	s5 =	sshrl.u32 @!p1 s20, $0x3;
	s0 =	ssub.s32 @!p1 s0, s3  }
0x4f: {  	s24 =	sand.u32 @!p1 $0x7, s20;
	s5 =	sadd.s32 @!p1 s5, s15;
	s0 =	smul.u32 @!p1 $0x3C0, s0  }
0x50: {  	[tilespmem:s23], [sflag:$0xB] =	stream.linear.gather @!p1 [hbm4b:s5+s24], s2, $0x38;
	[tilespmem:$0x1F6F8] =	vst v63  }
0x51: {  	s3 =	ssub.s32 @!p1 $0x13880, s20;
	s2 =	smul.u32 @!p1 $0x1E000, s4  }
0x52: {  	p2 =	slt.s32 @!p1 s3, $0xF0  }
0x53: {  	p2 =	por !p2, p1;
	s0 =	sshrl.u32 @!p1 s0, $0x2;
	s2 =	sshrl.u32 @!p1 s2, $0x2  }
0x54: {  	s3 =	simm.s32 @p2 $0xF0;
	s0 =	sadd.s32 @!p1 $0x10248, s0;
	s2 =	sor.u32 @!p1 $0x106F8, s2  }
0x55: {  	[tilespmem:s2], [sflag:$0x9] =	stream.indirect.gather @!p1 [hbm4b:s6+s3], $0x80, s0, s3, $0xb8;
	[tilespmem:$0x1F6F8] =	vst v63  }
0x56: {  	p1 =	slt.u32 s21, $0x2  }
.Ltmp3:
0x57: {  	_ = 	snop;
	(pc) =	sbr.rel @p1 .LBB2_21-.Ltmp3, $1  }
0x58: {  	_ =	sdelay $0x3  }
0x59: {  	p1 =	sgt.s32 s22, $0x13790  }
0x5a: {  	s0 =	smov.u32 s22;
	s2 =	sshra.s32 s22, $0x1F;
	s3 =	ssub.s32 $0x13880, s22  }
0x5b: {  	s0 =	simm.s32 @!p1 $0x13790;
	s2 =	sand.u32 s2, s22;
	p1 =	slt.s32 s3, $0xF0  }
0x5c: {  	s0 =	ssub.s32 s0, s2;
	s3 =	simm.s32 @!p1 $0xF0  }
0x5d: {  	s0 =	sadd.s32 $0xFFFEC870, s0;
	s25 =	sshll.u32 s3, $0x7  }
0x5e: {  	s26 =	sshll.u32 s0, $0x2;
	s2 =	sand.u32 $0x3FFFFF80, s25  }
0x5f: {  	p1 =	sgt.s32 s0, $0xEF;
	s29 =	ssub.s32 $0x3C0, s26;
	_ =	swait.ge [sflag:s10], s2  }
0x60: {  	s2 =	ssub.s32 $0x0, s2;
	[sflag:s10] =	ssyncset.done $0x0;
	s0 =	sshrl.u32 s29, $0x2  }
0x61: {  	[sflag:s10] =	ssyncadd.s32 s2;
	s0 =	simm.s32 @p1 $0x0  }
0x62: {  	_ =	swait.ge [sflag:s11], s0  }
0x63: {  	s0 =	ssub.s32 $0x0, s0;
	[sflag:s11] =	ssyncset.done $0x0  }
0x64: {  	[sflag:s11] =	ssyncadd.s32 s0  }
0x65: {  	v1 =	vld [tilespmem:$0xF208];
	_ =	sdelay $0x4  }
0x66: {  	(v2sf) =	vpush v1, $0x0  }
0x67: {  	(v2sf) =	vpush v1, $0x1  }
0x68: {  	(v2sf) =	vpush v1, $0x2;
	_ =	sdelay $0x3  }
0x69: {  	s0 =	sadd.s32 $0xF0, s22  }
0x6a: {  	s2 =	ssub.s32 $0x27100, s22;
	p1 =	slt.s32 s8, s0  }
0x6b: {  	s0 =	smov.u32 @p1 s8;
	p1 =	sgt.s32 s2, $0x0  }
0x6c: {  	s26 =	ssub.s32 s0, s22;
	s2 =	simm.s32 @!p1 $0x0  }
0x6d: {  	p1 =	slt.s32 s2, s26  }
0x6e: {  	s26 =	smov.u32 @p1 s2  }
0x6f: {  	s25 =	simm.s32 $0x1;
	p1 =	slt.s32 s26, $0x1  }
.Ltmp4:
0x70: {  	s25 =	simm.s32 @!p0 $0x0;
	(pc) =	sbr.rel @p1 .LBB2_8-.Ltmp4, $4  }
0x71: {  	s31 =	smul.u32 $0x3C0, s25  }
0x72: {  	s28 =	spop (v2sf)  }
0x73: {  	s0 =	sshrl.u32 s31, $0x2;
	s30 =	spop (v2sf)  }
0x74: {  	s23 =	sadd.s32 $0x10518, s0;
	s22 =	spop (v2sf)  }
0x75: {  	s0 =	smin.u32 s26, $0x10  }
0x76: {  	v1 =	vmov s0  }
0x77: {  	p2 =	sgt.s32 s26, $0x10;
	vm1 =	vgt.u32 v1, v0  }
.Ltmp5:
0x78: {  	_ = 	snop;
	(pc) =	sbr.rel @!p2 .LBB2_7-.Ltmp5, $2  }
0x79: {  	_ =	sdelay $0x2  }
0x7a: {  	s4 =	simm.s32 $0x10;
	s24 =	sadd.s32 $0xFFFFFFF0, s26;
	s0 =	smov.u32 s23;
	vm0 =	vmmov vm1  }
.LBB2_6:
0x7b: {  	s2 =	smin.u32 s24, $0x10;
	s4 =	sadd.s32 $0x10, s4;
	v1 =	vld.msk [tilespmem:s0+$0x0 ss:$0x1], vm1  }
0x7c: {  	v2 =	vmov s2;
	p2 =	slt.s32 s4, s26  }
0x7d: {  	vm1 =	vgt.u32 v2, v0  }
.Ltmp6:
0x7e: {  	(pc) =	sbr.rel @p2 .LBB2_6-.Ltmp6, $3  }
0x7f: {  	_ =	sdelay $0x1  }
0x80: {  	v1 =	vshll.u32 v1, $0x4  }
0x81: {  	s24 =	sadd.s32 $0xFFFFFFF0, s24;
	[tilespmem:s0+$0x0] =	vst.msk vm0, v1;
	s0 =	sadd.s32 $0x10, s0;
	vm0 =	vmmov vm1  }
.LBB2_7:
0x82: {  	_ =	sdelay $0x4  }
0x83: {  	v1 =	vld.msk [tilespmem:s0+$0x0 ss:$0x1], vm1;
	_ =	sdelay $0x4  }
0x84: {  	v1 =	vshll.u32 v1, $0x4  }
0x85: {  	[tilespmem:s0+$0x0] =	vst.msk vm0, v1  }
.LBB2_8:
0x86: {  	s0 =	sand.u32 $0x1, s21  }
0x87: {  	s0 =	smul.u32 $0xF0, s0  }
0x88: {  	p2 =	sne.s32 s30, $0xFFFFFFFF  }
0x89: {  	v1 =	vld.msk @!p2 [tilespmem:s0+$0x10518], $0x1;
	_ =	sdelay $0x4  }
0x8a: {  	(v2sf) =	vpush @!p2 v1, $0x0;
	_ =	sdelay $0xc  }
.Ltmp7:
0x8b: {  	_ = 	snop;
	(pc) =	sbr.rel @p1 .LBB2_19-.Ltmp7, $4  }
0x8c: {  	_ = 	snop  }
0x8d: {  	s29 =	spop @!p2 (v2sf)  }
0x8e: {  	s22 =	simm.s32 @!p2 $0x0;
	s24 =	smov.u32 s29  }
0x8f: {  	[sflag:s18] =	ssyncpa.u1 $0x0;
	s29 =	smov.u32 @p2 s28;
	s24 =	smov.u32 @p2 s30  }
0x90: {  	v1 =	vld.msk [tilespmem:s23+$0x0], $0x1;
	_ =	sdelay $0x4  }
0x91: {  	(v2sf) =	vpush v1, $0x0;
	_ =	sdelay $0xe  }
0x92: {  	s2 =	smul.u32 $0x1E000, s25;
	s0 =	spop (v2sf)  }
0x93: {  	s26 =	ssub.s32 $0x0, s26;
	p1 =	seq.s32 s29, s0  }
0x94: {  	s30 =	sadd.s32 $0x1, s26;
	s2 =	sshrl.u32 s2, $0x2;
	p2 =	sgt.s32 @!p1 s29, $0x0  }
0x95: {  	s25 =	sor.u32 $0x10738, s2;
	s2 =	smov.u32 s29;
	p2 =	por !p2, p1  }
0x96: {  	s2 =	simm.s32 @p2 $0x0;
	p2 =	seq.s32 s30, $0x0  }
.Ltmp8:
0x97: {  	_ = 	snop;
	(pc) =	sbr.rel @p2 .LBB2_11-.Ltmp8, $4  }
0x98: {  	_ = 	snop  }
0x99: {  	s28 =	simm.s32 $0x0;
	s31 =	sadd.s32 $0x1, s23;
	s2 =	smin.u32 @!p1 s2, $0x270F0  }
0x9a: {  	s4 =	simm.s32 @!p1 $0x1;
	s5 =	simm.s32 @!p1 $0x7988;
	s3 =	sand.u32 @!p1 $0x3FFF8, s2  }
0x9b: {  	s4 =	smov.u32 @p1 s28;
	s2 =	sand.u32 @!p1 $0x7, s2;
	s3 =	sadd.s32 @!p1 s1, s3  }
.LBB2_10:
0x9c: {  	s9 =	smov.u32 s4  }
0x9d: {  	[tilespmem:s5], [sflag:$0x2] =	stream.linear.gather @!p1 [hbm4b:s3+s2], $0x80, $0x38;
	[tilespmem:$0x1F6F8] =	vst v63  }
0x9e: {  	s30 =	sadd.s32 $0x1, s30;
	s2 =	smov.u32 s0;
	v1 =	vld.msk [tilespmem:s31+$0x0], $0x1  }
0x9f: {  	p2 =	seq.s32 s30, $0x0;
	_ =	sdelay $0x3  }
0xa0: {  	(v2sf) =	vpush v1, $0x0;
	_ =	sdelay $0xe  }
0xa1: {  	s0 =	spop (v2sf)  }
0xa2: {  	p1 =	seq.s32 s2, s0  }
0xa3: {  	p3 =	sgt.s32 @!p1 s2, $0x0;
	s3 =	sshll.u32 @!p1 s4, $0x9;
	s4 =	sadd.s32 @!p1 $0x1, s4  }
.Ltmp9:
0xa4: {  	p3 =	por !p3, p1;
	s3 =	sshra.s32 @!p1 s3, $0x2;
	(pc) =	sbr.rel @!p2 .LBB2_10-.Ltmp9, $4  }
0xa5: {  	s4 =	smov.u32 @p1 s9;
	s2 =	simm.s32 @p3 $0x0;
	s5 =	sadd.s32 @!p1 $0x7988, s3  }
0xa6: {  	s2 =	smin.u32 @!p1 s2, $0x270F0  }
0xa7: {  	s3 =	sand.u32 @!p1 $0x3FFF8, s2;
	s2 =	sand.u32 @!p1 $0x7, s2  }
0xa8: {  	s31 =	sadd.s32 $0x1, s31;
	s3 =	sadd.s32 @!p1 s1, s3  }
.LBB2_11:
0xa9: {  	[tilespmem:s5], [sflag:$0x2] =	stream.linear.gather @!p1 [hbm4b:s3+s2], $0x80, $0x38;
	[tilespmem:$0x1F6F8] =	vst v63  }
.Ltmp10:
0xaa: {  	s0 =	sshll.u32 s4, $0x7;
	(pc) =	sbr.rel .LBB2_12-.Ltmp10, $4  }
0xab: {  	s30 =	simm.s32 $0x2;
	s0 =	sand.u32 $0x3FFFFF80, s0  }
0xac: {  	_ =	swait.ge [sflag:s30], s0  }
0xad: {  	s0 =	ssub.s32 $0x0, s0;
	[sflag:s30] =	ssyncset.done $0x0  }
0xae: {  	s31 =	simm.s32 $0x0;
	[sflag:s30] =	ssyncadd.s32 s0  }
.LBB2_13:
0xaf: {  	v1 =	vld [tilespmem:s25+$0xFFFFFFC0];
	_ =	sdelay $0x3  }
0xb0: {  	s0 =	sshra.s32 s0, $0x2  }
0xb1: {  	[tilespmem:s0+$0x108] =	vst.add.f32.msk $0xffff, v1  }
0xb2: {  	v1 =	vld [tilespmem:s25+$0xFFFFFFD0];
	_ =	sdelay $0x4  }
0xb3: {  	[tilespmem:s0+$0x118] =	vst.add.f32.msk $0xffff, v1  }
0xb4: {  	v1 =	vld [tilespmem:s25+$0xFFFFFFE0];
	_ =	sdelay $0x4  }
0xb5: {  	[tilespmem:s0+$0x128] =	vst.add.f32.msk $0xffff, v1  }
0xb6: {  	v1 =	vld [tilespmem:s25+$0xFFFFFFF0];
	_ =	sdelay $0x4  }
0xb7: {  	[tilespmem:s0+$0x138] =	vst.add.f32.msk $0xffff, v1  }
0xb8: {  	v1 =	vld [tilespmem:s25+$0x0];
	_ =	sdelay $0x4  }
0xb9: {  	[tilespmem:s0+$0x148] =	vst.add.f32.msk $0xffff, v1  }
0xba: {  	v1 =	vld [tilespmem:s25+$0x10];
	_ =	sdelay $0x4  }
0xbb: {  	[tilespmem:s0+$0x158] =	vst.add.f32.msk $0xffff, v1  }
0xbc: {  	v1 =	vld [tilespmem:s25+$0x20];
	_ =	sdelay $0x4  }
0xbd: {  	[tilespmem:s0+$0x168] =	vst.add.f32.msk $0xffff, v1  }
0xbe: {  	v1 =	vld [tilespmem:s25+$0x30];
	_ =	sdelay $0x4  }
0xbf: {  	[tilespmem:s0+$0x178] =	vst.add.f32.msk $0xffff, v1  }
.LBB2_17:
0xc0: {  	s26 =	sadd.s32 $0x1, s26  }
0xc1: {  	p1 =	seq.s32 s26, $0x0  }
.Ltmp11:
0xc2: {  	_ = 	snop;
	(pc) =	sbr.rel @p1 .LBB2_18-.Ltmp11, $2  }
0xc3: {  	_ =	sdelay $0x2  }
0xc4: {  	s23 =	sadd.s32 $0x1, s23;
	s25 =	sadd.s32 $0x80, s25;
	s29 =	smov.u32 s30  }
.LBB2_12:
0xc5: {  	v1 =	vld.msk [tilespmem:s23+$0x0], $0x1;
	_ =	sdelay $0x4  }
0xc6: {  	(v2sf) =	vpush v1, $0x0;
	_ =	sdelay $0xe  }
0xc7: {  	s30 =	spop (v2sf)  }
0xc8: {  	p1 =	sne.s32 s29, s30  }
.Ltmp12:
0xc9: {  	_ = 	snop;
	(pc) =	sbr.rel @!p1 .LBB2_13-.Ltmp12, $2  }
0xca: {  	_ =	sdelay $0x2  }
0xcb: {  	s0 =	sshll.u32 s22, $0x9  }
0xcc: {  	p1 =	seq.s32 s29, s24  }
.Ltmp13:
0xcd: {  	_ = 	snop;
	(pc) =	sbr.rel @!p1 .LBB2_15-.Ltmp13, $1  }
0xce: {  	_ =	sdelay $0x3  }
0xcf: {  	s0 =	sshra.s32 s0, $0x2  }
.Ltmp14:
0xd0: {  	s0 =	sadd.s32 $0x108, s0;
	(pc) =	sbr.rel .LBB2_16-.Ltmp14, $4  }
0xd1: {  	[spmem:s16] =	stream.linear.scatter [tilespmem:s0], [sflag:$0x1], $0x80, $0x38;
	[tilespmem:$0x1F6F8] =	vst v63  }
0xd2: {  	_ =	swait.ge [sflag:s12], $0x80  }
0xd3: {  	[sflag:s12] =	ssyncset.done $0x0  }
0xd4: {  	[sflag:s12] =	ssyncadd.s32 $0xFFFFFF80  }
.LBB2_15:
0xd5: {  	s2 =	sshll.u32 s28, $0x9  }
0xd6: {  	s2 =	sshra.s32 s2, $0x2  }
0xd7: {  	v1 =	vld [tilespmem:s2+$0x7988];
	_ =	sdelay $0x3  }
0xd8: {  	s0 =	sshra.s32 s0, $0x2  }
0xd9: {  	[tilespmem:s0+$0x108] =	vst.add.f32.msk $0xffff, v1  }
0xda: {  	v1 =	vld [tilespmem:s2+$0x7998];
	_ =	sdelay $0x4  }
0xdb: {  	[tilespmem:s0+$0x118] =	vst.add.f32.msk $0xffff, v1  }
0xdc: {  	v1 =	vld [tilespmem:s2+$0x79A8];
	_ =	sdelay $0x4  }
0xdd: {  	[tilespmem:s0+$0x128] =	vst.add.f32.msk $0xffff, v1  }
0xde: {  	v1 =	vld [tilespmem:s2+$0x79B8];
	_ =	sdelay $0x4  }
0xdf: {  	[tilespmem:s0+$0x138] =	vst.add.f32.msk $0xffff, v1  }
0xe0: {  	v1 =	vld [tilespmem:s2+$0x79C8];
	_ =	sdelay $0x4  }
0xe1: {  	[tilespmem:s0+$0x148] =	vst.add.f32.msk $0xffff, v1  }
0xe2: {  	v1 =	vld [tilespmem:s2+$0x79D8];
	_ =	sdelay $0x4  }
0xe3: {  	[tilespmem:s0+$0x158] =	vst.add.f32.msk $0xffff, v1  }
0xe4: {  	v1 =	vld [tilespmem:s2+$0x79E8];
	_ =	sdelay $0x4  }
0xe5: {  	[tilespmem:s0+$0x168] =	vst.add.f32.msk $0xffff, v1  }
0xe6: {  	v1 =	vld [tilespmem:s2+$0x79F8];
	_ =	sdelay $0x2  }
0xe7: {  	p1 =	sgt.u32 s29, $0x270F0  }
0xe8: {  	s2 =	sand.u32 @!p1 $0x3FFF8, s29  }
0xe9: {  	s3 =	sadd.s32 $0x108, s0;
	[tilespmem:s0+$0x178] =	vst.add.f32.msk $0xffff, v1;
	s0 =	sadd.s32 @!p1 s1, s2;
	s2 =	sand.u32 @!p1 $0x7, s29  }
0xea: {  	[hbm4b:s0+s2] =	stream.linear.scatter @!p1 [tilespmem:s3], [sflag:$0xC], $0x80, $0x38;
	[tilespmem:$0x1F6F8] =	vst v63  }
0xeb: {  	s0 =	simm.s32 $0x0  }
0xec: {  	s0 =	simm.s32 @!p1 $0x200  }
0xed: {  	s31 =	sadd.s32 s0, s31  }
.LBB2_16:
0xee: {  	s0 =	sadd.s32 $0x1, s22  }
0xef: {  	s2 =	smulhi.u32 $0x88888889, s0;
	_ =	sdelay $0x1  }
0xf0: {  	v1 =	vld [tilespmem:s25+$0xFFFFFFC0];
	s2 =	sshrl.u32 s2, $0x7  }
0xf1: {  	s2 =	smul.u32 $0xF0, s2;
	_ =	sdelay $0x1  }
0xf2: {  	s22 =	ssub.s32 s0, s2  }
0xf3: {  	s0 =	sshll.u32 s22, $0x7  }
0xf4: {  	[tilespmem:s0+$0x108] =	vst v1  }
0xf5: {  	v1 =	vld [tilespmem:s25+$0xFFFFFFD0];
	_ =	sdelay $0x4  }
0xf6: {  	[tilespmem:s0+$0x118] =	vst v1  }
0xf7: {  	v1 =	vld [tilespmem:s25+$0xFFFFFFE0];
	_ =	sdelay $0x4  }
0xf8: {  	[tilespmem:s0+$0x128] =	vst v1  }
0xf9: {  	v1 =	vld [tilespmem:s25+$0xFFFFFFF0];
	_ =	sdelay $0x4  }
0xfa: {  	[tilespmem:s0+$0x138] =	vst v1  }
0xfb: {  	v1 =	vld [tilespmem:s25+$0x0];
	_ =	sdelay $0x4  }
0xfc: {  	[tilespmem:s0+$0x148] =	vst v1  }
0xfd: {  	v1 =	vld [tilespmem:s25+$0x10];
	_ =	sdelay $0x4  }
0xfe: {  	[tilespmem:s0+$0x158] =	vst v1  }
0xff: {  	v1 =	vld [tilespmem:s25+$0x20];
	_ =	sdelay $0x4  }
0x100: {  	[tilespmem:s0+$0x168] =	vst v1  }
0x101: {  	v1 =	vld [tilespmem:s25+$0x30]  }
.Ltmp15:
0x102: {  	_ = 	snop;
	(pc) =	sbr.rel .LBB2_17-.Ltmp15, $2  }
0x103: {  	_ =	sdelay $0x2  }
0x104: {  	s28 =	sadd.s32 $0x1, s28;
	[tilespmem:s0+$0x178] =	vst v1  }
.LBB2_19:
.Ltmp16:
0x105: {  	(pc) =	sbr.rel .LBB2_20-.Ltmp16, $4  }
0x106: {  	_ = 	snop  }
0x107: {  	s0 =	simm.s32 $0x2  }
0x108: {  	_ =	swait.ge [sflag:s0], $0x0  }
0x109: {  	s30 =	smov.u32 s29;
	[sflag:s0] =	ssyncset.done $0x0;
	s0 =	simm.s32 $0x0  }
.LBB2_22:
0x10a: {  	_ =	sfence.sel $0x180000  }
0x10b: {  	s0 =	simm.s32 $0x9;
	[bflag:$0x0] =	sbarrier.arrive $0xFFFF  }
0x10c: {  	s24 =	simm.s32 $0xA;
	[sflag:s0] =	ssyncpa.u1 $0x1  }
0x10d: {  	s25 =	simm.s32 $0xB;
	[sflag:s24] =	ssyncpa.u1 $0x1  }
0x10e: {  	s26 =	simm.s32 $0x2;
	[sflag:s25] =	ssyncpa.u1 $0x1  }
0x10f: {  	[sflag:s26] =	ssyncpa.u1 $0x1  }
0x110: {  	v0 =	vld [tilespmem:$0xF208];
	_ =	sdelay $0x4  }
0x111: {  	(v2sf) =	vpush v0, $0x0  }
0x112: {  	(v2sf) =	vpush v0, $0x1;
	_ =	sdelay $0x1  }
0x113: {  	(v2sf) =	vpush v0, $0x2;
	_ =	sdelay $0xb  }
0x114: {  	s0 =	spop (v2sf)  }
0x115: {  	s2 =	spop (v2sf)  }
0x116: {  	s3 =	smov.u32 s0;
	p0 =	sne.s32 s0, s2  }
0x117: {  	s4 =	spop (v2sf);
	s3 =	simm.s32 @!p0 $0xFFFFFFFF  }
0x118: {  	v2 =	vimm.s32 $0x1;
	v3 =	vlaneseq.u32;
	p0 =	seq.s32 s4, $0xFFFFFFFF;
	v1 =	vmov s3  }
0x119: {  	s16 =	stileid.u32;
	v0 =	vperm.xlane v0, v2;
	p1 =	sne.s32 @!p0 s0, s2;
	v1 =	vperm.xlane v1, v3  }
0x11a: {  	vm0 =	vcmask $0x3F04;
	s6 =	simm.s32 $0xF208;
	s0 =	simm.s32 @!p0 $0x1;
	p1 =	por !p1, p0  }
0x11b: {  	s3 =	sshll.u32 s16, $0x1;
	s2 =	sshll.u32 @!p0 s4, $0x9;
	s0 =	simm.s32 @p1 $0x0;
	v0 =	vsel vm0, v1, v0  }
0x11c: {  	s5 =	sor.u32 $0x1000, s3;
	s2 =	sshra.s32 @!p0 s2, $0x2;
	s0 =	sor.u32 @!p0 s0, s3;
	[tilespmem:$0xF208] =	vst v0  }
0x11d: {  	[spmem:s5] =	stream.linear.scatter [tilespmem:s6], [sflag:$0x1], $0x2, $0x38;
	[tilespmem:$0x1F6F8] =	vst v63  }
0x11e: {  	s2 =	sadd.s32 @!p0 $0x108, s2;
	s0 =	sshll.u32 @!p0 s0, $0x7  }
0x11f: {  	[spmem:s0] =	stream.linear.scatter @!p0 [tilespmem:s2], [sflag:$0x1], $0x80, $0x38;
	[tilespmem:$0x1F6F8] =	vst v63  }
0x120: {  	s0 =	simm.s32 @!p0 $0x82  }
0x121: {  	s28 =	simm.s32 $0x1;
	s0 =	simm.s32 @p0 $0x2  }
0x122: {  	_ =	swait.ge [sflag:s28], s0  }
0x123: {  	s0 =	ssub.s32 $0x0, s0;
	[sflag:s28] =	ssyncset.done $0x0  }
0x124: {  	p0 =	sne.s32 s16, $0x0;
	[sflag:s28] =	ssyncadd.s32 s0  }
.Ltmp17:
0x125: {  	_ =	sfence.stream.spmem;
	(pc) =	sbr.rel @p0 .LBB2_39-.Ltmp17, $4  }
0x126: {  	s29 =	simm.s32 $0x3;
	[bflag:$0x0] =	sbarrier.arrive $0xFFFF  }
0x127: {  	s30 =	simm.s32 $0x4;
	[sflag:s29] =	ssyncpa.u1 $0x1  }
0x128: {  	s31 =	simm.s32 $0x3C;
	[sflag:s30] =	ssyncpa.u1 $0x1  }
0x129: {  	s15 =	rddreg [dreg:$0x5];
	[sflag:s31] =	ssyncpa.u1 $0x1  }
0x12a: {  	_ =	sfence.stream.spmem;
	s0 =	simm.s32 $0x5  }
0x12b: {  	s2 =	simm.s32 $0x1000;
	s3 =	simm.s32 $0xF218;
	[sflag:s0] =	ssyncpa.u1 $0x0  }
0x12c: {  	[tilespmem:s3], [sflag:$0x5] =	stream.linear.gather [spmem:s2], $0x20, $0x38;
	[tilespmem:$0x1F6F8] =	vst v63  }
0x12d: {  	s26 =	simm.s32 $0x0;
	s28 =	simm.s32 $0xF238  }
0x12e: {  	[tilespmem:s28], [sflag:$0x5] =	stream.linear.gather [spmem:s26], $0x1000, $0x38;
	[tilespmem:$0x1F6F8] =	vst v63  }
0x12f: {  	_ =	swait.ge [sflag:s0], $0x1020  }
0x130: {  	[sflag:s0] =	ssyncset.done $0x0  }
0x131: {  	s29 =	simm.s32 $0x0;
	[sflag:s0] =	ssyncadd.s32 $0xFFFFEFE0  }
0x132: {  	v0 =	vld.msk [tilespmem:s29+$0xF218], $0x1;
	_ =	sdelay $0x1  }
0x133: {  	s30 =	simm.s32 $0x1  }
0x134: {  	v1 =	vld.msk [tilespmem:s30+$0xF218], $0x1;
	_ =	sdelay $0x1  }
0x135: {  	(v2sf) =	vpush v0, $0x0;
	_ =	sdelay $0x2  }
0x136: {  	(v2sf) =	vpush v1, $0x0;
	_ =	sdelay $0x2  }
0x137: {  	s31 =	simm.s32 $0x2  }
0x138: {  	v0 =	vld.msk [tilespmem:s31+$0xF218], $0x1;
	_ =	sdelay $0x2  }
0x139: {  	s4 =	simm.s32 $0xFFFFFFFF;
	s5 =	simm.s32 $0xFFFFFFFF;
	s0 =	simm.s32 $0xC  }
.LBB2_24:
0x13a: {  	s2 =	smov.u32 s5;
	s3 =	smov.u32 s4  }
0x13b: {  	s4 =	sshra.s32 s0, $0x2;
	p1 =	sne.s32 s0, $0x7C;
	s0 =	sadd.s32 $0x4, s0;
	(v2sf) =	vpush v0, $0x0  }
0x13c: {  	v0 =	vld.msk [tilespmem:s4+$0xF218], $0x1  }
.Ltmp18:
0x13d: {  	(pc) =	sbr.rel @p1 .LBB2_24-.Ltmp18, $4  }
0x13e: {  	s5 =	spop (v2sf)  }
0x13f: {  	p2 =	sne.s32 s3, $0xFFFFFFFF;
	s4 =	smov.u32 s5  }
0x140: {  	p3 =	seq.s32 s5, $0xFFFFFFFF;
	s4 =	smov.u32 @p2 s3  }
0x141: {  	s5 =	smov.u32 @p3 s2;
	s4 =	smov.u32 @p3 s3  }
0x142: {  	(v2sf) =	vpush v0, $0x0;
	_ =	sdelay $0x8  }
0x143: {  	s0 =	spop (v2sf)  }
0x144: {  	p1 =	sne.s32 s4, $0xFFFFFFFF;
	s2 =	smov.u32 s0  }
0x145: {  	s9 =	simm.s32 $0x6;
	p2 =	seq.s32 s0, $0xFFFFFFFF;
	s2 =	smov.u32 @p1 s4  }
0x146: {  	s6 =	simm.s32 $0x0;
	s2 =	smov.u32 @p2 s4;
	s3 =	spop (v2sf)  }
0x147: {  	s0 =	smov.u32 @p2 s5;
	p1 =	sne.s32 s2, $0xFFFFFFFF;
	s4 =	smov.u32 s3  }
.Ltmp19:
0x148: {  	p2 =	seq.s32 s3, $0xFFFFFFFF;
	s4 =	smov.u32 @p1 s2;
	(pc) =	sbr.rel .LBB2_26-.Ltmp19, $4  }
0x149: {  	s10 =	simm.s32 $0xF188;
	s4 =	smov.u32 @p2 s2;
	s7 =	spop (v2sf)  }
0x14a: {  	s11 =	simm.s32 $0x0;
	p1 =	sne.s32 s4, $0xFFFFFFFF;
	s8 =	smov.u32 s7  }
0x14b: {  	s3 =	smov.u32 @p2 s0;
	p2 =	seq.s32 s7, $0xFFFFFFFF;
	s8 =	smov.u32 @p1 s4  }
0x14c: {  	[sflag:s9] =	ssyncpa.u1 $0x0;
	s7 =	smov.u32 @p2 s3;
	s8 =	smov.u32 @p2 s4  }
.LBB2_32:
0x14d: {  	p1 =	sgt.u32 s12, $0x270F0  }
0x14e: {  	p2 =	seq.s32 @!p1 s12, s8  }
0x14f: {  	p1 =	por p1, p2  }
0x150: {  	p2 =	sne.s32 @!p1 s12, s7  }
0x151: {  	p1 =	por p1, !p2  }
0x152: {  	s0 =	sshll.u32 @p1 s11, $0x9  }
0x153: {  	s0 =	sand.u32 @!p1 $0x3FFF8, s12  }
0x154: {  	s2 =	sand.u32 @!p1 $0x7, s12;
	s0 =	sadd.s32 @!p1 s1, s0  }
0x155: {  	[tilespmem:s10], [sflag:$0x6] =	stream.linear.gather @!p1 [hbm4b:s0+s2], $0x80, $0x38;
	[tilespmem:$0x1F6F8] =	vst v63  }
0x156: {  	_ =	swait.ge @!p1 [sflag:s9], $0x80  }
0x157: {  	[sflag:s9] =	ssyncset.done @!p1 $0x0  }
0x158: {  	[sflag:s9] =	ssyncadd.s32 @!p1 $0xFFFFFF80  }
0x159: {  	v1 =	vld @!p1 [tilespmem:$0xF188];
	_ =	sdelay $0x2  }
0x15a: {  	s0 =	sshll.u32 @!p1 s11, $0x9  }
0x15b: {  	s2 =	sshrl.u32 @!p1 s0, $0x2  }
0x15c: {  	[tilespmem:s2+$0xF238] =	vst.add.f32.msk @!p1 $0xffff, v1  }
0x15d: {  	v1 =	vld @!p1 [tilespmem:$0xF198];
	_ =	sdelay $0x4  }
0x15e: {  	[tilespmem:s2+$0xF248] =	vst.add.f32.msk @!p1 $0xffff, v1  }
0x15f: {  	v1 =	vld @!p1 [tilespmem:$0xF1A8];
	_ =	sdelay $0x4  }
0x160: {  	[tilespmem:s2+$0xF258] =	vst.add.f32.msk @!p1 $0xffff, v1  }
0x161: {  	v1 =	vld @!p1 [tilespmem:$0xF1B8];
	_ =	sdelay $0x4  }
0x162: {  	[tilespmem:s2+$0xF268] =	vst.add.f32.msk @!p1 $0xffff, v1  }
0x163: {  	v1 =	vld @!p1 [tilespmem:$0xF1C8];
	_ =	sdelay $0x4  }
0x164: {  	[tilespmem:s2+$0xF278] =	vst.add.f32.msk @!p1 $0xffff, v1  }
0x165: {  	v1 =	vld @!p1 [tilespmem:$0xF1D8];
	_ =	sdelay $0x4  }
0x166: {  	[tilespmem:s2+$0xF288] =	vst.add.f32.msk @!p1 $0xffff, v1  }
0x167: {  	v1 =	vld @!p1 [tilespmem:$0xF1E8];
	_ =	sdelay $0x4  }
0x168: {  	[tilespmem:s2+$0xF298] =	vst.add.f32.msk @!p1 $0xffff, v1  }
0x169: {  	v1 =	vld @!p1 [tilespmem:$0xF1F8];
	_ =	sdelay $0x4  }
0x16a: {  	[tilespmem:s2+$0xF2A8] =	vst.add.f32.msk @!p1 $0xffff, v1  }
0x16b: {  	s0 =	sshrl.u32 s0, $0x2;
	[tilespmem:s6+$0xF218] =	vst.msk $0x1, v0  }
0x16c: {  	v0 =	vld [tilespmem:s0+$0xF238];
	_ =	sdelay $0x2  }
0x16d: {  	s31 =	sshll.u32 s6, $0x9  }
0x16e: {  	s2 =	sshra.s32 s31, $0x2  }
0x16f: {  	[tilespmem:s2+$0xF238] =	vst v0  }
0x170: {  	v0 =	vld [tilespmem:s0+$0xF248];
	_ =	sdelay $0x4  }
0x171: {  	[tilespmem:s2+$0xF248] =	vst v0  }
0x172: {  	v0 =	vld [tilespmem:s0+$0xF258];
	_ =	sdelay $0x4  }
0x173: {  	[tilespmem:s2+$0xF258] =	vst v0  }
0x174: {  	v0 =	vld [tilespmem:s0+$0xF268];
	_ =	sdelay $0x4  }
0x175: {  	[tilespmem:s2+$0xF268] =	vst v0  }
0x176: {  	v0 =	vld [tilespmem:s0+$0xF278];
	_ =	sdelay $0x4  }
0x177: {  	[tilespmem:s2+$0xF278] =	vst v0  }
0x178: {  	v0 =	vld [tilespmem:s0+$0xF288];
	_ =	sdelay $0x4  }
0x179: {  	[tilespmem:s2+$0xF288] =	vst v0  }
0x17a: {  	v0 =	vld [tilespmem:s0+$0xF298];
	_ =	sdelay $0x4  }
0x17b: {  	[tilespmem:s2+$0xF298] =	vst v0  }
0x17c: {  	v0 =	vld [tilespmem:s0+$0xF2A8];
	_ =	sdelay $0x4  }
0x17d: {  	s6 =	sadd.s32 $0x1, s6;
	[tilespmem:s2+$0xF2A8] =	vst v0  }
.LBB2_33:
0x17e: {  	s11 =	sadd.s32 $0x1, s11  }
0x17f: {  	p1 =	sne.s32 s11, $0x20  }
.Ltmp20:
0x180: {  	_ = 	snop;
	(pc) =	sbr.rel @!p1 .LBB2_34-.Ltmp20, $1  }
0x181: {  	_ =	sdelay $0x3  }
.LBB2_26:
0x182: {  	v0 =	vld.msk [tilespmem:s11+$0xF218], $0x1;
	_ =	sdelay $0x4  }
0x183: {  	(v2sf) =	vpush v0, $0x0;
	_ =	sdelay $0xe  }
0x184: {  	s12 =	spop (v2sf)  }
0x185: {  	p1 =	seq.s32 s12, $0xFFFFFFFF  }
.Ltmp21:
0x186: {  	_ = 	snop;
	(pc) =	sbr.rel @p1 .LBB2_33-.Ltmp21, $1  }
0x187: {  	_ =	sdelay $0x3  }
0x188: {  	p1 =	slt.s32 s6, $0x1  }
.Ltmp22:
0x189: {  	_ = 	snop;
	(pc) =	sbr.rel @p1 .LBB2_32-.Ltmp22, $1  }
0x18a: {  	_ =	sdelay $0x3  }
0x18b: {  	s13 =	simm.s32 $0xF218;
	p1 =	por $0x0, $0x0  }
0x18c: {  	v1 =	vld.msk @!p1 [tilespmem:s13+$0x0], $0x1;
	_ =	sdelay $0x4  }
0x18d: {  	(v2sf) =	vpush @!p1 v1, $0x0;
	_ =	sdelay $0xd  }
0x18e: {  	p3 =	sne.s32 s6, $0x1  }
.Ltmp23:
0x18f: {  	s0 =	spop @!p1 (v2sf);
	(pc) =	sbr.rel @!p3 .LBB2_30-.Ltmp23, $4  }
0x190: {  	p2 =	seq.s32 @!p1 s12, s0  }
0x191: {  	s14 =	simm.s32 $0x0;
	p2 =	por !p2, p1  }
0x192: {  	s2 =	simm.s32 $0xFFFFFFFF;
	s14 =	simm.s32 @p2 $0xFFFFFFFF  }
0x193: {  	s0 =	simm.s32 $0x1;
	s14 =	smov.u32 @p1 s2  }
.LBB2_29:
0x194: {  	s2 =	smov.u32 s14;
	p1 =	sne.s32 s14, $0xFFFFFFFF  }
0x195: {  	s13 =	sadd.s32 $0x1, s13;
	s14 =	smov.u32 s0;
	s0 =	sadd.s32 $0x1, s0  }
0x196: {  	p2 =	sne.s32 s6, s0;
	v1 =	vld.msk @!p1 [tilespmem:s13+$0x0], $0x1;
	_ =	sdelay $0x4  }
0x197: {  	(v2sf) =	vpush @!p1 v1, $0x0;
	_ =	sdelay $0xe  }
.Ltmp24:
0x198: {  	s3 =	spop @!p1 (v2sf);
	(pc) =	sbr.rel @p2 .LBB2_29-.Ltmp24, $4  }
0x199: {  	p3 =	seq.s32 @!p1 s12, s3  }
0x19a: {  	p3 =	por !p3, p1  }
0x19b: {  	s14 =	simm.s32 @p3 $0xFFFFFFFF  }
0x19c: {  	s14 =	smov.u32 @p1 s2  }
.LBB2_30:
0x19d: {  	p1 =	seq.s32 s14, $0xFFFFFFFF  }
.Ltmp25:
0x19e: {  	_ = 	snop;
	(pc) =	sbr.rel @p1 .LBB2_32-.Ltmp25, $1  }
0x19f: {  	_ =	sdelay $0x3  }
0x1a0: {  	s0 =	sshll.u32 s11, $0x7  }
0x1a1: {  	s0 =	sand.u32 $0x3FFFFF80, s0  }
0x1a2: {  	v0 =	vld [tilespmem:s0+$0xF238];
	_ =	sdelay $0x2  }
0x1a3: {  	s2 =	sshll.u32 s14, $0x9  }
0x1a4: {  	s2 =	sshra.s32 s2, $0x2  }
0x1a5: {  	[tilespmem:s2+$0xF238] =	vst.add.f32.msk $0xffff, v0  }
0x1a6: {  	v0 =	vld [tilespmem:s0+$0xF248];
	_ =	sdelay $0x4  }
0x1a7: {  	[tilespmem:s2+$0xF248] =	vst.add.f32.msk $0xffff, v0  }
0x1a8: {  	v0 =	vld [tilespmem:s0+$0xF258];
	_ =	sdelay $0x4  }
0x1a9: {  	[tilespmem:s2+$0xF258] =	vst.add.f32.msk $0xffff, v0  }
0x1aa: {  	v0 =	vld [tilespmem:s0+$0xF268];
	_ =	sdelay $0x4  }
0x1ab: {  	[tilespmem:s2+$0xF268] =	vst.add.f32.msk $0xffff, v0  }
0x1ac: {  	v0 =	vld [tilespmem:s0+$0xF278];
	_ =	sdelay $0x4  }
0x1ad: {  	[tilespmem:s2+$0xF278] =	vst.add.f32.msk $0xffff, v0  }
0x1ae: {  	v0 =	vld [tilespmem:s0+$0xF288];
	_ =	sdelay $0x4  }
0x1af: {  	[tilespmem:s2+$0xF288] =	vst.add.f32.msk $0xffff, v0  }
0x1b0: {  	v0 =	vld [tilespmem:s0+$0xF298];
	_ =	sdelay $0x4  }
0x1b1: {  	[tilespmem:s2+$0xF298] =	vst.add.f32.msk $0xffff, v0  }
0x1b2: {  	v0 =	vld [tilespmem:s0+$0xF2A8]  }
.Ltmp26:
0x1b3: {  	_ = 	snop;
	(pc) =	sbr.rel .LBB2_33-.Ltmp26, $2  }
0x1b4: {  	_ =	sdelay $0x2  }
0x1b5: {  	[tilespmem:s2+$0xF2A8] =	vst.add.f32.msk $0xffff, v0  }
.LBB2_34:
0x1b6: {  	s0 =	simm.s32 $0x6;
	p1 =	seq.s32 s6, $0x0  }
0x1b7: {  	[sflag:s0] =	ssyncpa.u1 $0x1;
	v0 =	vimm.s32 @p1 $0xFFFFFFFF  }
0x1b8: {  	s9 =	sadd.s32 $0xFFFFFFFF, s6;
	[tilespmem:$0x10238] =	vst @p1 v0  }
0x1b9: {  	v0 =	vld.msk @!p1 [tilespmem:s9+$0xF218], $0x1;
	_ =	sdelay $0x1  }
0x1ba: {  	v1 =	vld.msk @!p1 [tilespmem:$0xF218], $0x1;
	_ =	sdelay $0x2  }
0x1bb: {  	p2 =	seq.s32 @!p1 s9, $0x0;
	v0 =	vbroadcast @!p1 v0, $0x0  }
0x1bc: {  	vm0 =	vmmov @!p1 $0x1;
	p2 =	por !p2, p1  }
0x1bd: {  	v1 =	vnsel @!p1 vm0, $0xFFFFFFFF, v1;
	vm0 =	vcmask @!p1 $0x308;
	v0 =	vpsel !p2, $0xFFFFFFFF, v0  }
0x1be: {  	p2 =	sne.s32 @!p1 s8, s7;
	v0 =	vsel @!p1 vm0, v1, v0  }
0x1bf: {  	s0 =	simm.s32 @!p1 $0xF238;
	s2 =	simm.s32 @!p1 $0x0;
	p3 =	por !p2, p1;
	[tilespmem:$0x10238] =	vst @!p1 v0  }
0x1c0: {  	[spmem:s2] =	stream.linear.scatter @!p1 [tilespmem:s0], [sflag:$0x1], $0x80, $0x38;
	[tilespmem:$0x1F6F8] =	vst v63  }
0x1c1: {  	s0 =	sshll.u32 @!p3 s9, $0x9  }
0x1c2: {  	s0 =	sshra.s32 @!p3 s0, $0x2  }
0x1c3: {  	s2 =	simm.s32 @!p3 $0x80;
	s0 =	sadd.s32 @!p3 $0xF238, s0  }
0x1c4: {  	[spmem:s2] =	stream.linear.scatter @!p3 [tilespmem:s0], [sflag:$0x1], $0x80, $0x38;
	[tilespmem:$0x1F6F8] =	vst v63  }
0x1c5: {  	s0 =	simm.s32 @!p3 $0x1  }
0x1c6: {  	_ =	swait.ge @!p3 [sflag:s0], $0x100  }
0x1c7: {  	p1 =	por p2, p1;
	[sflag:s0] =	ssyncset.done @!p3 $0x0  }
0x1c8: {  	[sflag:s0] =	ssyncadd.s32 @!p3 $0xFFFFFF00;
	s0 =	simm.s32 @!p1 $0x1  }
0x1c9: {  	_ =	swait.ge @!p1 [sflag:s0], $0x80  }
0x1ca: {  	s29 =	simm.s32 $0x10238;
	[sflag:s0] =	ssyncset.done @!p1 $0x0  }
0x1cb: {  	s30 =	simm.s32 $0x1000;
	s31 =	simm.s32 $0x1;
	[sflag:s0] =	ssyncadd.s32 @!p1 $0xFFFFFF80  }
0x1cc: {  	[spmem:s30] =	stream.linear.scatter [tilespmem:s29], [sflag:$0x1], $0x10, $0x38;
	[tilespmem:$0x1F6F8] =	vst v63  }
0x1cd: {  	_ =	swait.ge [sflag:s31], $0x10  }
0x1ce: {  	[sflag:s31] =	ssyncset.done $0x0  }
0x1cf: {  	p1 =	seq.s32 s15, $0x0;
	s8 =	rddreg [dreg:$0x2];
	[sflag:s31] =	ssyncadd.s32 $0xFFFFFFF0  }
0x1d0: {  	s2 =	sshll.u32 @p1 s8, $0xE;
	s7 =	rddreg [dreg:$0x3]  }
0x1d1: {  	s0 =	sadd.s32 @p1 $0x15C3C, s2;
	s2 =	sshll.u32 @p1 s7, $0x11  }
0x1d2: {  	_ =	sfence.stream.spmem;
	s0 =	sor.u32 @p1 s2, s0  }
0x1d3: {  	[sflag:s0] =	ssyncadd.remote.s32 @p1 $0x1;
	s0 =	simm.s32 @p1 $0x4  }
0x1d4: {  	s3 =	simm.s32 @!p1 $0x3C;
	s2 =	sand.u32 $0xFFFFFFFE, s8;
	_ =	swait.ge @p1 [sflag:s0], $0x22  }
0x1d5: {  	s4 =	simm.s32 @!p1 $0x0;
	s2 =	sadd.s32 @!p1 $0x4, s2;
	[sflag:s0] =	ssyncset.done @p1 $0x0  }
0x1d6: {  	s5 =	simm.s32 @!p1 $0x100;
	[sflag:s0] =	ssyncadd.s32 @p1 $0xFFFFFFDE;
	s0 =	sshll.u32 @!p1 s2, $0x1A  }
0x1d7: {  	s2 =	sshll.u32 @!p1 s2, $0xD;
	s0 =	sor.u32 @!p1 s0, s7;
	_ =	swait.eq @!p1 [sflag:s3], $0x1  }
0x1d8: {  	s2 =	sor.u32 @!p1 $0x1C04, s2;
	s3 =	simm.s32 @!p1 $0x1C03;
	s0 =	sor.u32 @!p1 $0x80004000, s0  }
0x1d9: {  	[spmem:s5], [sflag:s2] =	dma.general @!p1 [spmem:s4], [sflag:s3], length:$0x20, [dreg:$0x0], stride_count:$0x0, ici_dest:s0, dma_misc:DstOpCode:WRITE  }
0x1da: {  	p2 =	slt.s32 s9, $0x2;
	s4 =	simm.s32 @!p1 $0x200;
	s5 =	simm.s32 @!p1 $0x202  }
0x1db: {  	[spmem:s5], [sflag:s2] =	dma.general @!p1 [spmem:s4], [sflag:s3], length:$0x2, [dreg:$0x0], stride_count:$0x0, ici_dest:s0, dma_misc:DstOpCode:WRITE  }
.Ltmp27:
0x1dc: {  	s0 =	simm.s32 @!p1 $0x3;
	(pc) =	sbr.rel @p2 .LBB2_38-.Ltmp27, $4  }
0x1dd: {  	s2 =	sshll.u32 @!p1 s8, $0xE;
	_ =	swait.ge @!p1 [sflag:s0], $0x22  }
0x1de: {  	s3 =	sshll.u32 @!p1 s7, $0x11;
	s2 =	sadd.s32 @!p1 $0x11C3C, s2;
	[sflag:s0] =	ssyncset.done @!p1 $0x0  }
0x1df: {  	[sflag:s0] =	ssyncadd.s32 @!p1 $0xFFFFFFDE;
	s0 =	sor.u32 @!p1 s3, s2  }
0x1e0: {  	[sflag:s0] =	ssyncadd.remote.s32 @!p1 $0xFFFFFFFF;
	s0 =	simm.s32 $0x0  }
0x1e1: {  	s0 =	simm.s32 $0xF219  }
0x1e2: {  	v0 =	vld.msk [tilespmem:s0+$0x0], $0x1;
	_ =	sdelay $0x4  }
0x1e3: {  	(v2sf) =	vpush v0, $0x0;
	_ =	sdelay $0xb  }
0x1e4: {  	s31 =	sadd.s32 $0xFFFFFFFE, s6  }
0x1e5: {  	s0 =	sadd.s32 $0xFFFFFFFF, s31  }
0x1e6: {  	p2 =	sne.s32 s0, $0x0  }
.Ltmp28:
0x1e7: {  	s2 =	spop (v2sf);
	(pc) =	sbr.rel @!p2 .LBB2_37-.Ltmp28, $4  }
0x1e8: {  	s4 =	simm.s32 $0xF2B8;
	s7 =	simm.s32 $0x0;
	p1 =	sgt.u32 s2, $0x270F0  }
0x1e9: {  	s5 =	simm.s32 $0x0;
	s6 =	simm.s32 $0xF21A;
	s3 =	sand.u32 @!p1 $0x3FFF8, s2  }
0x1ea: {  	s2 =	sand.u32 @!p1 $0x7, s2;
	s7 =	simm.s32 @!p1 $0x200;
	s3 =	sadd.s32 @!p1 s1, s3  }
0x1eb: {  	[hbm4b:s3+s2] =	stream.linear.scatter @!p1 [tilespmem:s4], [sflag:$0x5], $0x80, $0x38;
	[tilespmem:$0x1F6F8] =	vst v63  }
.LBB2_36:
0x1ec: {  	v0 =	vld.msk [tilespmem:s6+$0x0], $0x1;
	s0 =	sadd.s32 $0xFFFFFFFF, s0;
	s5 =	sadd.s32 s5, s7  }
0x1ed: {  	p1 =	sne.s32 s0, $0x0;
	_ =	sdelay $0x3  }
0x1ee: {  	(v2sf) =	vpush v0, $0x0;
	_ =	sdelay $0xe  }
.Ltmp29:
0x1ef: {  	s2 =	spop (v2sf);
	(pc) =	sbr.rel @p1 .LBB2_36-.Ltmp29, $4  }
0x1f0: {  	s7 =	simm.s32 $0x0;
	p2 =	sgt.u32 s2, $0x270F0  }
0x1f1: {  	s4 =	sadd.s32 $0x80, s4;
	s7 =	simm.s32 @!p2 $0x200;
	s3 =	sand.u32 @!p2 $0x3FFF8, s2  }
0x1f2: {  	s6 =	sadd.s32 $0x1, s6;
	s2 =	sand.u32 @!p2 $0x7, s2;
	s3 =	sadd.s32 @!p2 s1, s3  }
0x1f3: {  	[hbm4b:s3+s2] =	stream.linear.scatter @!p2 [tilespmem:s4], [sflag:$0x5], $0x80, $0x38;
	[tilespmem:$0x1F6F8] =	vst v63  }
.LBB2_37:
0x1f4: {  	s0 =	sadd.s32 s5, s7  }
0x1f5: {  	s0 =	sshrl.u32 s0, $0x2  }
.LBB2_38:
0x1f6: {  	s2 =	simm.s32 $0x5  }
0x1f7: {  	_ =	swait.ge [sflag:s2], s0  }
0x1f8: {  	s31 =	ssub.s32 $0x0, s0;
	[sflag:s2] =	ssyncset.done $0x0  }
0x1f9: {  	[sflag:s2] =	ssyncadd.s32 s31  }
0x1fa: {  	[sflag:s2] =	ssyncpa.u1 $0x1  }
.LBB2_39:
0x1fb: {  	s0 =	sor.u32 s15, s16  }
0x1fc: {  	p1 =	sne.s32 s0, $0x0  }
.Ltmp30:
0x1fd: {  	_ = 	snop;
	(pc) =	sbr.rel @p1 .LBB2_54-.Ltmp30, $3  }
0x1fe: {  	_ =	sdelay $0x1  }
0x1ff: {  	[bflag:$0x0] =	sbarrier.arrive $0xFFFF  }
0x200: {  	_ =	sfence  }
0x201: {  	s0 =	simm.s32 $0x7  }
0x202: {  	s2 =	simm.s32 $0x1000;
	s3 =	simm.s32 $0xF218;
	[sflag:s0] =	ssyncpa.u1 $0x0  }
0x203: {  	[tilespmem:s3], [sflag:$0x7] =	stream.linear.gather [spmem:s2], $0x20, $0x38;
	[tilespmem:$0x1F6F8] =	vst v63  }
0x204: {  	s30 =	simm.s32 $0xF238;
	s2 =	simm.s32 $0x0  }
0x205: {  	[tilespmem:s30], [sflag:$0x7] =	stream.linear.gather [spmem:s2], $0x1000, $0x38;
	[tilespmem:$0x1F6F8] =	vst v63  }
.Ltmp31:
0x206: {  	_ = 	snop;
	(pc) =	sbr.rel .LBB2_41-.Ltmp31, $4  }
0x207: {  	_ =	swait.ge [sflag:s0], $0x1020  }
0x208: {  	[sflag:s0] =	ssyncset.done $0x0  }
0x209: {  	s31 =	simm.s32 $0x8;
	[sflag:s0] =	ssyncadd.s32 $0xFFFFEFE0  }
0x20a: {  	s3 =	simm.s32 $0x0;
	[sflag:s31] =	ssyncpa.u1 $0x0  }
.LBB2_47:
0x20b: {  	p1 =	slt.u32 s4, $0x270F1  }
0x20c: {  	s0 =	sand.u32 @p1 $0x3FFF8, s4  }
0x20d: {  	s4 =	sand.u32 @p1 $0x7, s4;
	s5 =	simm.s32 @p1 $0xF188;
	s0 =	sadd.s32 @p1 s1, s0  }
0x20e: {  	[tilespmem:s5], [sflag:$0x8] =	stream.linear.gather @p1 [hbm4b:s0+s4], $0x80, $0x38;
	[tilespmem:$0x1F6F8] =	vst v63  }
0x20f: {  	s0 =	simm.s32 @p1 $0x8  }
0x210: {  	_ =	swait.ge @p1 [sflag:s0], $0x80  }
0x211: {  	[sflag:s0] =	ssyncset.done @p1 $0x0  }
0x212: {  	[sflag:s0] =	ssyncadd.s32 @p1 $0xFFFFFF80  }
0x213: {  	v1 =	vld @p1 [tilespmem:$0xF188];
	_ =	sdelay $0x2  }
0x214: {  	s0 =	sshll.u32 @p1 s3, $0x9  }
0x215: {  	s4 =	sshrl.u32 @p1 s0, $0x2  }
0x216: {  	[tilespmem:s4+$0xF238] =	vst.add.f32.msk @p1 $0xffff, v1  }
0x217: {  	v1 =	vld @p1 [tilespmem:$0xF198];
	_ =	sdelay $0x4  }
0x218: {  	[tilespmem:s4+$0xF248] =	vst.add.f32.msk @p1 $0xffff, v1  }
0x219: {  	v1 =	vld @p1 [tilespmem:$0xF1A8];
	_ =	sdelay $0x4  }
0x21a: {  	[tilespmem:s4+$0xF258] =	vst.add.f32.msk @p1 $0xffff, v1  }
0x21b: {  	v1 =	vld @p1 [tilespmem:$0xF1B8];
	_ =	sdelay $0x4  }
0x21c: {  	[tilespmem:s4+$0xF268] =	vst.add.f32.msk @p1 $0xffff, v1  }
0x21d: {  	v1 =	vld @p1 [tilespmem:$0xF1C8];
	_ =	sdelay $0x4  }
0x21e: {  	[tilespmem:s4+$0xF278] =	vst.add.f32.msk @p1 $0xffff, v1  }
0x21f: {  	v1 =	vld @p1 [tilespmem:$0xF1D8];
	_ =	sdelay $0x4  }
0x220: {  	[tilespmem:s4+$0xF288] =	vst.add.f32.msk @p1 $0xffff, v1  }
0x221: {  	v1 =	vld @p1 [tilespmem:$0xF1E8];
	_ =	sdelay $0x4  }
0x222: {  	[tilespmem:s4+$0xF298] =	vst.add.f32.msk @p1 $0xffff, v1  }
0x223: {  	v1 =	vld @p1 [tilespmem:$0xF1F8];
	_ =	sdelay $0x3  }
0x224: {  	s5 =	sshll.u32 @!p1 s3, $0x9  }
0x225: {  	s5 =	smov.u32 @p1 s0;
	[tilespmem:s4+$0xF2A8] =	vst.add.f32.msk @p1 $0xffff, v1  }
0x226: {  	s0 =	sshrl.u32 s5, $0x2;
	[tilespmem:s2+$0xF218] =	vst.msk $0x1, v0  }
0x227: {  	v0 =	vld [tilespmem:s0+$0xF238];
	_ =	sdelay $0x2  }
0x228: {  	s31 =	sshll.u32 s2, $0x9  }
0x229: {  	s4 =	sshra.s32 s31, $0x2  }
0x22a: {  	[tilespmem:s4+$0xF238] =	vst v0  }
0x22b: {  	v0 =	vld [tilespmem:s0+$0xF248];
	_ =	sdelay $0x4  }
0x22c: {  	[tilespmem:s4+$0xF248] =	vst v0  }
0x22d: {  	v0 =	vld [tilespmem:s0+$0xF258];
	_ =	sdelay $0x4  }
0x22e: {  	[tilespmem:s4+$0xF258] =	vst v0  }
0x22f: {  	v0 =	vld [tilespmem:s0+$0xF268];
	_ =	sdelay $0x4  }
0x230: {  	[tilespmem:s4+$0xF268] =	vst v0  }
0x231: {  	v0 =	vld [tilespmem:s0+$0xF278];
	_ =	sdelay $0x4  }
0x232: {  	[tilespmem:s4+$0xF278] =	vst v0  }
0x233: {  	v0 =	vld [tilespmem:s0+$0xF288];
	_ =	sdelay $0x4  }
0x234: {  	[tilespmem:s4+$0xF288] =	vst v0  }
0x235: {  	v0 =	vld [tilespmem:s0+$0xF298];
	_ =	sdelay $0x4  }
0x236: {  	[tilespmem:s4+$0xF298] =	vst v0  }
0x237: {  	v0 =	vld [tilespmem:s0+$0xF2A8];
	_ =	sdelay $0x4  }
0x238: {  	s2 =	sadd.s32 $0x1, s2;
	[tilespmem:s4+$0xF2A8] =	vst v0  }
.LBB2_48:
0x239: {  	s3 =	sadd.s32 $0x1, s3  }
0x23a: {  	p1 =	sne.s32 s3, $0x20  }
.Ltmp32:
0x23b: {  	_ = 	snop;
	(pc) =	sbr.rel @!p1 .LBB2_49-.Ltmp32, $1  }
0x23c: {  	_ =	sdelay $0x3  }
.LBB2_41:
0x23d: {  	v0 =	vld.msk [tilespmem:s3+$0xF218], $0x1;
	_ =	sdelay $0x4  }
0x23e: {  	(v2sf) =	vpush v0, $0x0;
	_ =	sdelay $0xe  }
0x23f: {  	s4 =	spop (v2sf)  }
0x240: {  	p1 =	seq.s32 s4, $0xFFFFFFFF  }
.Ltmp33:
0x241: {  	_ = 	snop;
	(pc) =	sbr.rel @p1 .LBB2_48-.Ltmp33, $1  }
0x242: {  	_ =	sdelay $0x3  }
0x243: {  	p1 =	slt.s32 s2, $0x1  }
.Ltmp34:
0x244: {  	_ = 	snop;
	(pc) =	sbr.rel @p1 .LBB2_47-.Ltmp34, $1  }
0x245: {  	_ =	sdelay $0x3  }
0x246: {  	s5 =	simm.s32 $0xF218;
	p1 =	por $0x0, $0x0  }
0x247: {  	v1 =	vld.msk @!p1 [tilespmem:s5+$0x0], $0x1;
	_ =	sdelay $0x4  }
0x248: {  	(v2sf) =	vpush @!p1 v1, $0x0;
	_ =	sdelay $0xd  }
0x249: {  	p3 =	sne.s32 s2, $0x1  }
.Ltmp35:
0x24a: {  	s0 =	spop @!p1 (v2sf);
	(pc) =	sbr.rel @!p3 .LBB2_45-.Ltmp35, $4  }
0x24b: {  	p2 =	seq.s32 @!p1 s4, s0  }
0x24c: {  	s6 =	simm.s32 $0x0;
	p2 =	por !p2, p1  }
0x24d: {  	s7 =	simm.s32 $0xFFFFFFFF;
	s6 =	simm.s32 @p2 $0xFFFFFFFF  }
0x24e: {  	s0 =	simm.s32 $0x1;
	s6 =	smov.u32 @p1 s7  }
.LBB2_44:
0x24f: {  	s7 =	smov.u32 s6;
	p1 =	sne.s32 s6, $0xFFFFFFFF  }
0x250: {  	s5 =	sadd.s32 $0x1, s5;
	s6 =	smov.u32 s0;
	s0 =	sadd.s32 $0x1, s0  }
0x251: {  	p2 =	sne.s32 s2, s0;
	v1 =	vld.msk @!p1 [tilespmem:s5+$0x0], $0x1;
	_ =	sdelay $0x4  }
0x252: {  	(v2sf) =	vpush @!p1 v1, $0x0;
	_ =	sdelay $0xe  }
.Ltmp36:
0x253: {  	s8 =	spop @!p1 (v2sf);
	(pc) =	sbr.rel @p2 .LBB2_44-.Ltmp36, $4  }
0x254: {  	p3 =	seq.s32 @!p1 s4, s8  }
0x255: {  	p3 =	por !p3, p1  }
0x256: {  	s6 =	simm.s32 @p3 $0xFFFFFFFF  }
0x257: {  	s6 =	smov.u32 @p1 s7  }
.LBB2_45:
0x258: {  	p1 =	seq.s32 s6, $0xFFFFFFFF  }
.Ltmp37:
0x259: {  	_ = 	snop;
	(pc) =	sbr.rel @p1 .LBB2_47-.Ltmp37, $1  }
0x25a: {  	_ =	sdelay $0x3  }
0x25b: {  	s0 =	sshll.u32 s3, $0x7  }
0x25c: {  	s0 =	sand.u32 $0x3FFFFF80, s0  }
0x25d: {  	v0 =	vld [tilespmem:s0+$0xF238];
	_ =	sdelay $0x2  }
0x25e: {  	s4 =	sshll.u32 s6, $0x9  }
0x25f: {  	s4 =	sshra.s32 s4, $0x2  }
0x260: {  	[tilespmem:s4+$0xF238] =	vst.add.f32.msk $0xffff, v0  }
0x261: {  	v0 =	vld [tilespmem:s0+$0xF248];
	_ =	sdelay $0x4  }
0x262: {  	[tilespmem:s4+$0xF248] =	vst.add.f32.msk $0xffff, v0  }
0x263: {  	v0 =	vld [tilespmem:s0+$0xF258];
	_ =	sdelay $0x4  }
0x264: {  	[tilespmem:s4+$0xF258] =	vst.add.f32.msk $0xffff, v0  }
0x265: {  	v0 =	vld [tilespmem:s0+$0xF268];
	_ =	sdelay $0x4  }
0x266: {  	[tilespmem:s4+$0xF268] =	vst.add.f32.msk $0xffff, v0  }
0x267: {  	v0 =	vld [tilespmem:s0+$0xF278];
	_ =	sdelay $0x4  }
0x268: {  	[tilespmem:s4+$0xF278] =	vst.add.f32.msk $0xffff, v0  }
0x269: {  	v0 =	vld [tilespmem:s0+$0xF288];
	_ =	sdelay $0x4  }
0x26a: {  	[tilespmem:s4+$0xF288] =	vst.add.f32.msk $0xffff, v0  }
0x26b: {  	v0 =	vld [tilespmem:s0+$0xF298];
	_ =	sdelay $0x4  }
0x26c: {  	[tilespmem:s4+$0xF298] =	vst.add.f32.msk $0xffff, v0  }
0x26d: {  	v0 =	vld [tilespmem:s0+$0xF2A8]  }
.Ltmp38:
0x26e: {  	_ = 	snop;
	(pc) =	sbr.rel .LBB2_48-.Ltmp38, $2  }
0x26f: {  	_ =	sdelay $0x2  }
0x270: {  	[tilespmem:s4+$0xF2A8] =	vst.add.f32.msk $0xffff, v0  }
.LBB2_49:
0x271: {  	p1 =	slt.s32 s2, $0x1  }
.Ltmp39:
0x272: {  	_ = 	snop;
	(pc) =	sbr.rel @p1 .LBB2_53-.Ltmp39, $3  }
0x273: {  	_ =	sdelay $0x1  }
0x274: {  	s0 =	simm.s32 $0x8  }
0x275: {  	s3 =	simm.s32 $0x0;
	[sflag:s0] =	ssyncpa.u1 $0x1  }
0x276: {  	s0 =	simm.s32 $0xF218  }
0x277: {  	v0 =	vld.msk [tilespmem:s0+$0x0], $0x1;
	_ =	sdelay $0x4  }
0x278: {  	(v2sf) =	vpush v0, $0x0;
	_ =	sdelay $0xe  }
0x279: {  	s0 =	sadd.s32 $0xFFFFFFFF, s2;
	s5 =	spop (v2sf)  }
0x27a: {  	p2 =	sne.s32 s0, $0x0;
	p1 =	sgt.u32 s5, $0x270F0  }
.Ltmp40:
0x27b: {  	s6 =	sand.u32 @!p1 $0x3FFF8, s5;
	(pc) =	sbr.rel @!p2 .LBB2_52-.Ltmp40, $4  }
0x27c: {  	s4 =	simm.s32 $0xF238;
	s5 =	sand.u32 @!p1 $0x7, s5;
	s2 =	sadd.s32 @!p1 s1, s6  }
0x27d: {  	[hbm4b:s2+s5] =	stream.linear.scatter @!p1 [tilespmem:s4], [sflag:$0x7], $0x80, $0x38;
	[tilespmem:$0x1F6F8] =	vst v63  }
0x27e: {  	s5 =	simm.s32 $0x0  }
0x27f: {  	s2 =	simm.s32 $0xF219;
	s5 =	simm.s32 @!p1 $0x200  }
.LBB2_51:
0x280: {  	v0 =	vld.msk [tilespmem:s2+$0x0], $0x1;
	s0 =	sadd.s32 $0xFFFFFFFF, s0;
	s3 =	sadd.s32 s3, s5  }
0x281: {  	p1 =	sne.s32 s0, $0x0;
	_ =	sdelay $0x3  }
0x282: {  	(v2sf) =	vpush v0, $0x0;
	_ =	sdelay $0xe  }
.Ltmp41:
0x283: {  	s6 =	spop (v2sf);
	(pc) =	sbr.rel @p1 .LBB2_51-.Ltmp41, $4  }
0x284: {  	s5 =	simm.s32 $0x0;
	p2 =	sgt.u32 s6, $0x270F0  }
0x285: {  	s4 =	sadd.s32 $0x80, s4;
	s5 =	simm.s32 @!p2 $0x200;
	s7 =	sand.u32 @!p2 $0x3FFF8, s6  }
0x286: {  	s2 =	sadd.s32 $0x1, s2;
	s6 =	sand.u32 @!p2 $0x7, s6;
	s7 =	sadd.s32 @!p2 s1, s7  }
0x287: {  	[hbm4b:s7+s6] =	stream.linear.scatter @!p2 [tilespmem:s4], [sflag:$0x7], $0x80, $0x38;
	[tilespmem:$0x1F6F8] =	vst v63  }
.LBB2_52:
0x288: {  	s0 =	sadd.s32 s3, s5  }
0x289: {  	s3 =	sshrl.u32 s0, $0x2  }
.LBB2_53:
0x28a: {  	s0 =	simm.s32 $0x7  }
0x28b: {  	_ =	swait.ge [sflag:s0], s3  }
0x28c: {  	s1 =	ssub.s32 $0x0, s3;
	[sflag:s0] =	ssyncset.done $0x0  }
0x28d: {  	[sflag:s0] =	ssyncadd.s32 s1  }
0x28e: {  	[sflag:s0] =	ssyncpa.u1 $0x1  }
.LBB2_54:
0x28f: {  	_ =	sfence;
	s0 =	simm.s32 $0x1  }
0x290: {  	[sflag:s0] =	ssyncpa.u1 $0x1  }
0x291: {  	_ =	strace $0x9000004A  }
0x292: {  	[bflag:$0x2] =	sbarrier.arrive $0xFFFF  }
0x293: {  	s0 =	rddreg [dreg:$0x4]  }
0x294: {  	s0 =	sadd.s32 @!p0 $0x100000, s0  }
0x295: {  	[sflag:s0] =	ssyncadd.tile.s32 @!p0 $0x1;
	_ =	shalt  }
.Lfunc_end2:
_tile_overlayer_lowered:
.L_overlay_start_2:
0x296: {  	(tag) =	ssettag $0x2  }
0x297: {  	s0 =	rddreg [dreg:$0x0];
	s2 =	stileid.u32  }
0x298: {  	s1 =	rddreg [dreg:$0x1];
	p0 =	sne.s32 s2, $0x0  }
0x299: {  	s3 =	rddreg [dreg:$0x2];
	[bflag:$0x3] =	sbarrier.arrive $0xFFFF;
	s2 =	simm.s32 @!p0 $0x1C01  }
0x29a: {  	[timem:s3], [sflag:s2] =	dma.local @!p0 [hbm:s0], s1  }
0x29b: {  	s0 =	simm.s32 @!p0 $0x1  }
0x29c: {  	_ =	swait.ge @!p0 [sflag:s0], s1  }
0x29d: {  	s1 =	ssub.s32 @!p0 $0x0, s1;
	[sflag:s0] =	ssyncset.done @!p0 $0x0  }
0x29e: {  	[sflag:s0] =	ssyncadd.s32 @!p0 s1  }
0x29f: {  	[bflag:$0x3] =	sbarrier.arrive $0xFFFF  }
0x2a0: {  	_ =	shalt  }

</sc_bundles>
